<compile_context>
chip_gen: v7x
topology: tpu7x:2x2x1
jax: 0.10.2.dev20260603
libtpu: 0.0.44.dev20260713+nightly
codegen_flags: <defaults>
</compile_context>

<pallas_src>
import functools

import jax
import jax.numpy as jnp
from jax import lax
from jax.experimental import pallas as pl
from jax.experimental.pallas import tpu as pltpu
from jax.experimental.pallas import tpu_sc as plsc

N = 10000
D = 128
E = 320000
NC = 2
NS = 16
NW = NC * NS
EPT = E // NW
K = 50
CHUNKS = EPT // K
NB = 3
NG = CHUNKS // NB
DR = 1000
NDT = N // DR
CW = 8


def _sc_body(x_hbm, row_hbm, col_hbm, zrow_hbm, zcnt_hbm,
             acc_out, cnt_out,
             row_idx, col_idx, bufs, ones_v,
             acc_sh, cnt_sh, gsems, ssems):
    cid = lax.axis_index("c")
    sid = lax.axis_index("s")
    wid = sid * NC + cid

    pltpu.sync_copy(row_hbm.at[pl.ds(wid * CHUNKS, CHUNKS)], row_idx)
    pltpu.sync_copy(col_hbm.at[pl.ds(wid * CHUNKS, CHUNKS)], col_idx)

    def fill_ones(i, _):
        ones_v[i] = jnp.ones((CW,), jnp.float32)
        return 0
    lax.fori_loop(0, K, fill_ones, 0)

    rbase = sid * DR

    @pl.when(sid < NDT)
    def _init():
        pltpu.sync_copy(zrow_hbm, acc_sh.at[pl.ds(rbase, DR)])
        pltpu.sync_copy(zcnt_hbm, cnt_sh.at[pl.ds(rbase, DR)])

    plsc.subcore_barrier()

    def g_start(j, b):
        pltpu.async_copy(x_hbm.at[row_idx.at[j]], bufs[b], gsems[b])

    def g_wait(b):
        pltpu.make_async_copy(x_hbm.at[row_idx.at[0]], bufs[b],
                              gsems[b]).wait()

    def s_start(j, b):
        pltpu.async_copy(bufs[b], acc_sh.at[col_idx.at[j]], ssems[b],
                         add=True)
        pltpu.async_copy(ones_v, cnt_sh.at[col_idx.at[j]], ssems[b],
                         add=True)

    def s_wait(b):
        pltpu.make_async_copy(bufs[b], acc_sh.at[col_idx.at[0]],
                              ssems[b]).wait()
        pltpu.make_async_copy(ones_v, cnt_sh.at[col_idx.at[0]],
                              ssems[b]).wait()

    for b in range(NB):
        g_start(b, b)

    def body(t, _):
        j0 = NB * t
        for b in range(NB):
            g_wait(b)
            s_start(j0 + b, b)
        for b in range(NB):
            s_wait(b)

            @pl.when(j0 + NB + b < CHUNKS)
            def _():
                g_start(j0 + NB + b, b)
        return 0
    lax.fori_loop(0, NG, body, 0)

    for b in range(CHUNKS - NB * NG):
        g_wait(b)
        s_start(NB * NG + b, b)
    for b in range(CHUNKS - NB * NG):
        s_wait(b)

    plsc.subcore_barrier()

    @pl.when(sid < NDT)
    def _drain():
        pltpu.sync_copy(acc_sh.at[pl.ds(rbase, DR)],
                        acc_out.at[cid, pl.ds(rbase, DR)])
        pltpu.sync_copy(cnt_sh.at[pl.ds(rbase, DR)],
                        cnt_out.at[cid, pl.ds(rbase, DR)])


_sc_kernel = functools.partial(
    pl.kernel,
    out_type=(
        jax.ShapeDtypeStruct((NC, N, D), jnp.float32),
        jax.ShapeDtypeStruct((NC, N, CW), jnp.float32),
    ),
    mesh=plsc.VectorSubcoreMesh(core_axis_name="c", subcore_axis_name="s"),
    scratch_types=[
        pltpu.VMEM((CHUNKS, K), jnp.int32),
        pltpu.VMEM((CHUNKS, K), jnp.int32),
        [pltpu.VMEM((K, D), jnp.float32) for _ in range(NB)],
        pltpu.VMEM((K, CW), jnp.float32),
        pltpu.VMEM_SHARED((N, D), jnp.float32),
        pltpu.VMEM_SHARED((N, CW), jnp.float32),
        [pltpu.SemaphoreType.DMA for _ in range(NB)],
        [pltpu.SemaphoreType.DMA for _ in range(NB)],
    ],
    compiler_params=pltpu.CompilerParams(use_tc_tiling_on_sc=False),
)(_sc_body)


BN = 1000


def _tc_body(x_ref, acc_ref, cnt_ref, out_ref):
    cnt = jnp.sum(cnt_ref[...], axis=(0, 2)) * (1.0 / CW)
    s = acc_ref[0] + acc_ref[1]
    inv = 1.0 / jnp.maximum(cnt, 1.0)
    out_ref[:, :D] = s * inv[:, None]
    mask = jnp.where(cnt > 0.0, 1.0, 0.0)
    out_ref[:, D:] = x_ref[...] * mask[:, None]


_tc_finalize = pl.pallas_call(
    _tc_body,
    grid=(N // BN,),
    in_specs=[
        pl.BlockSpec((BN, D), lambda i: (i, 0)),
        pl.BlockSpec((NC, BN, D), lambda i: (0, i, 0)),
        pl.BlockSpec((NC, BN, CW), lambda i: (0, i, 0)),
    ],
    out_specs=pl.BlockSpec((BN, 2 * D), lambda i: (i, 0)),
    out_shape=jax.ShapeDtypeStruct((N, 2 * D), jnp.float32),
)


@jax.jit
def kernel(x, es):
    col = es[0].astype(jnp.int32).reshape(E // K, K)
    row = es[1].astype(jnp.int32).reshape(E // K, K)
    zrow = jnp.zeros((DR, D), jnp.float32)
    zcnt = jnp.zeros((DR, CW), jnp.float32)
    acc, cnt = _sc_kernel(x, row, col, zrow, zcnt)
    return _tc_finalize(x, acc, cnt)

# --- scband reference (transcript-rebuilt; emitter-appended) ---
"""Pipeline reference for scband-gnn-82205674045701 (READ-ONLY COPY).

The authoritative reference and input builder live on the scoring server;
editing this copy changes nothing except your own understanding.
"""

import jax, jax.numpy as jnp
import numpy as np

N_NODES = 10000
D_FEAT = 128
N_EDGES = 320000


def setup_inputs(seed: int = 0) -> dict:
    key = jax.random.key(seed)
    k1, k2 = jax.random.split(key)
    x = jax.random.normal(k1, (N_NODES, D_FEAT), dtype=jnp.float32)
    es = jax.random.randint(k2, (2, N_EDGES), 0, N_NODES, dtype=jnp.int64 if jax.config.jax_enable_x64 else jnp.int32)
    return {"x": x, "es": es}


def reference(x, es):
    # GNN.propagate(x, es, f_e=None, agg='mean') with message option='o2i'
    # message: col, row = es ; x_i = x[row], x_o = x[col]; msg = cat([x_i, x_o], -1)
    col = es[0]
    row = es[1]
    x_i = jnp.take(x, row, axis=0)
    x_o = jnp.take(x, col, axis=0)
    msg = jnp.concatenate([x_i, x_o], axis=-1)  # [E, 2*d]
    n = x.shape[0]
    # scatter_replacement with reduce='mean'
    out = jnp.zeros((n, msg.shape[1]), dtype=msg.dtype).at[col].add(msg)
    count = jnp.zeros((n,), dtype=msg.dtype).at[col].add(jnp.ones((msg.shape[0],), dtype=msg.dtype))
    count = jnp.clip(count, 1.0, None).reshape(-1, 1)
    return out / count

if __name__ == "__main__":
    import jax
    _d = setup_inputs()
    print(jax.jit(kernel)(*tuple(_d.values())))

</pallas_src>

<mosaic_0001>
#map = affine_map<(d0, d1) -> (0, 0)>
#map1 = affine_map<(d0, d1) -> (0, 0, 0)>
module attributes {stable_mosaic.version = 14 : i64} {
  func.func @_sc_body(%arg0: i32, %arg1: i32, %arg2: memref<10000x128xf32, #tpu.memory_space<hbm>>, %arg3: memref<6400x50xi32, #tpu.memory_space<hbm>>, %arg4: memref<6400x50xi32, #tpu.memory_space<hbm>>, %arg5: memref<1000x128xf32, #tpu.memory_space<hbm>>, %arg6: memref<1000x8xf32, #tpu.memory_space<hbm>>, %arg7: memref<2x10000x128xf32, #tpu.memory_space<hbm>>, %arg8: memref<2x10000x8xf32, #tpu.memory_space<hbm>>, %arg9: memref<200x50xi32, #tpu.memory_space<vmem>>, %arg10: memref<200x50xi32, #tpu.memory_space<vmem>>, %arg11: memref<50x128xf32, #tpu.memory_space<vmem>>, %arg12: memref<50x128xf32, #tpu.memory_space<vmem>>, %arg13: memref<50x128xf32, #tpu.memory_space<vmem>>, %arg14: memref<50x8xf32, #tpu.memory_space<vmem>>, %arg15: memref<10000x128xf32, #tpu.memory_space<vmem_shared>>, %arg16: memref<10000x8xf32, #tpu.memory_space<vmem_shared>>, %arg17: memref<!tpu.dma_semaphore, #tpu.memory_space<semaphore_mem>>, %arg18: memref<!tpu.dma_semaphore, #tpu.memory_space<semaphore_mem>>, %arg19: memref<!tpu.dma_semaphore, #tpu.memory_space<semaphore_mem>>, %arg20: memref<!tpu.dma_semaphore, #tpu.memory_space<semaphore_mem>>, %arg21: memref<!tpu.dma_semaphore, #tpu.memory_space<semaphore_mem>>, %arg22: memref<!tpu.dma_semaphore, #tpu.memory_space<semaphore_mem>>) attributes {dimension_semantics = [#tpu.dimension_semantics<core_parallel>, #tpu.dimension_semantics<subcore_parallel>], iteration_bounds = array<i64: 2, 16>, scalar_prefetch = 0 : i64, scratch_operands = 14 : i64, tpu.core_type = #tpu.core_type<sc_vector_subcore>, window_params = [{transform_indices = #map}, {transform_indices = #map}, {transform_indices = #map}, {transform_indices = #map}, {transform_indices = #map}, {transform_indices = #map1}, {transform_indices = #map1}]} {
    %mul3A = arith.constant 2 : i32
    %mul3A_0 = arith.muli %arg1, %mul3A : i32
    %add3A = arith.addi %mul3A_0, %arg0 : i32
    %mul3A_1 = arith.constant 200 : i32
    %mul3A_2 = arith.muli %add3A, %mul3A_1 : i32
    "tpu.region"() ({
      %run_scoped3A = tpu.sem_alloc : memref<!tpu.dma_semaphore, #tpu.memory_space<semaphore_mem>>
      %dma_start3A_117 = arith.constant 0 : i32
      %dma_start3A_118 = tpu.memref_slice %arg3[%mul3A_2, %dma_start3A_117] : memref<6400x50xi32, #tpu.memory_space<hbm>> -> memref<200x50xi32, #tpu.memory_space<hbm>>
      %dma_start3A_119 = arith.constant 0 : i32
      %dma_start3A_120 = tpu.memref_slice %arg3[%mul3A_2, %dma_start3A_119] : memref<6400x50xi32, #tpu.memory_space<hbm>> -> memref<200x50xi32, #tpu.memory_space<hbm>>
      tpu.enqueue_dma source(%dma_start3A_120 : memref<200x50xi32, #tpu.memory_space<hbm>>) target(%arg9 : memref<200x50xi32, #tpu.memory_space<vmem>>) target_semaphore(%run_scoped3A : memref<!tpu.dma_semaphore, #tpu.memory_space<semaphore_mem>>)
      %dma_wait3A_121 = arith.constant 0 : i32
      %dma_wait3A_122 = tpu.memref_slice %arg3[%mul3A_2, %dma_wait3A_121] : memref<6400x50xi32, #tpu.memory_space<hbm>> -> memref<200x50xi32, #tpu.memory_space<hbm>>
      %dma_wait3A_123 = arith.constant 0 : i32
      %dma_wait3A_124 = tpu.memref_slice %arg3[%mul3A_2, %dma_wait3A_123] : memref<6400x50xi32, #tpu.memory_space<hbm>> -> memref<200x50xi32, #tpu.memory_space<hbm>>
      tpu.wait_dma2 semaphore(%run_scoped3A : memref<!tpu.dma_semaphore, #tpu.memory_space<semaphore_mem>>) src(%dma_wait3A_124 : memref<200x50xi32, #tpu.memory_space<hbm>>) dst(%arg9 : memref<200x50xi32, #tpu.memory_space<vmem>>)
      tpu.yield
    }) : () -> ()
    %mul3A_3 = arith.constant 200 : i32
    %mul3A_4 = arith.muli %add3A, %mul3A_3 : i32
    "tpu.region"() ({
      %run_scoped3A = tpu.sem_alloc : memref<!tpu.dma_semaphore, #tpu.memory_space<semaphore_mem>>
      %dma_start3A_117 = arith.constant 0 : i32
      %dma_start3A_118 = tpu.memref_slice %arg4[%mul3A_4, %dma_start3A_117] : memref<6400x50xi32, #tpu.memory_space<hbm>> -> memref<200x50xi32, #tpu.memory_space<hbm>>
      %dma_start3A_119 = arith.constant 0 : i32
      %dma_start3A_120 = tpu.memref_slice %arg4[%mul3A_4, %dma_start3A_119] : memref<6400x50xi32, #tpu.memory_space<hbm>> -> memref<200x50xi32, #tpu.memory_space<hbm>>
      tpu.enqueue_dma source(%dma_start3A_120 : memref<200x50xi32, #tpu.memory_space<hbm>>) target(%arg10 : memref<200x50xi32, #tpu.memory_space<vmem>>) target_semaphore(%run_scoped3A : memref<!tpu.dma_semaphore, #tpu.memory_space<semaphore_mem>>)
      %dma_wait3A_121 = arith.constant 0 : i32
      %dma_wait3A_122 = tpu.memref_slice %arg4[%mul3A_4, %dma_wait3A_121] : memref<6400x50xi32, #tpu.memory_space<hbm>> -> memref<200x50xi32, #tpu.memory_space<hbm>>
      %dma_wait3A_123 = arith.constant 0 : i32
      %dma_wait3A_124 = tpu.memref_slice %arg4[%mul3A_4, %dma_wait3A_123] : memref<6400x50xi32, #tpu.memory_space<hbm>> -> memref<200x50xi32, #tpu.memory_space<hbm>>
      tpu.wait_dma2 semaphore(%run_scoped3A : memref<!tpu.dma_semaphore, #tpu.memory_space<semaphore_mem>>) src(%dma_wait3A_124 : memref<200x50xi32, #tpu.memory_space<hbm>>) dst(%arg10 : memref<200x50xi32, #tpu.memory_space<vmem>>)
      tpu.yield
    }) : () -> ()
    %scan3A = arith.constant 0 : i32
    %scan3A_5 = arith.constant 0 : i32
    %scan3A_6 = arith.constant 50 : i32
    %scan3A_7 = arith.addi %scan3A_5, %scan3A_6 : i32
    %scan3A_8 = arith.constant 1 : i32
    %scan3A_9 = scf.for %scan3A_117 = %scan3A_5 to %scan3A_7 step %scan3A_8 iter_args(%scan3A_118 = %scan3A) -> (i32)  : i32 {
      %broadcast_in_dim3A = arith.constant 1.000000e+00 : f32
      %broadcast_in_dim3A_119 = vector.broadcast %broadcast_in_dim3A : f32 to vector<8xf32>
      %swap3A = arith.index_cast %scan3A_117 : i32 to index
      %swap3A_120 = arith.constant 0 : index
      %swap3A_121 = tpu.vector_load %arg14[%swap3A, %swap3A_120] {strides = array<i32>} : memref<50x8xf32, #tpu.memory_space<vmem>>, vector<1x8xf32>,
      %swap3A_122 = vector.shape_cast %swap3A_121 : vector<1x8xf32> to vector<8xf32>
      %swap3A_123 = vector.shape_cast %broadcast_in_dim3A_119 : vector<8xf32> to vector<1x8xf32>
      tpu.vector_store %arg14[%swap3A, %swap3A_120], %swap3A_123 {strides = array<i32>} : memref<50x8xf32, #tpu.memory_space<vmem>>, vector<1x8xf32>,
      %scan3A_124 = arith.constant 0 : i32
      scf.yield %scan3A_124 : i32
    }
    %scan3A_10 = arith.constant 50 : i32
    %mul3A_11 = arith.constant 1000 : i32
    %mul3A_12 = arith.muli %arg1, %mul3A_11 : i32
    %lt3A = arith.constant 10 : i32
    %lt3A_13 = arith.cmpi slt, %arg1, %lt3A : i32
    %convert_element_type3A = arith.extui %lt3A_13 : i1 to i32
    %cond3A = arith.constant 0 : i32
    %cond3A_14 = arith.cmpi ne, %convert_element_type3A, %cond3A : i32
    scf.if %cond3A_14 {
      "tpu.region"() ({
        %run_scoped3A = tpu.sem_alloc : memref<!tpu.dma_semaphore, #tpu.memory_space<semaphore_mem>>
        %dma_start3A_117 = arith.constant 0 : i32
        %dma_start3A_118 = tpu.memref_slice %arg15[%mul3A_12, %dma_start3A_117] : memref<10000x128xf32, #tpu.memory_space<vmem_shared>> -> memref<1000x128xf32, #tpu.memory_space<vmem_shared>>
        tpu.enqueue_dma source(%arg5 : memref<1000x128xf32, #tpu.memory_space<hbm>>) target(%dma_start3A_118 : memref<1000x128xf32, #tpu.memory_space<vmem_shared>>) target_semaphore(%run_scoped3A : memref<!tpu.dma_semaphore, #tpu.memory_space<semaphore_mem>>)
        %dma_wait3A_119 = arith.constant 0 : i32
        %dma_wait3A_120 = tpu.memref_slice %arg15[%mul3A_12, %dma_wait3A_119] : memref<10000x128xf32, #tpu.memory_space<vmem_shared>> -> memref<1000x128xf32, #tpu.memory_space<vmem_shared>>
        tpu.wait_dma2 semaphore(%run_scoped3A : memref<!tpu.dma_semaphore, #tpu.memory_space<semaphore_mem>>) src(%arg5 : memref<1000x128xf32, #tpu.memory_space<hbm>>) dst(%dma_wait3A_120 : memref<1000x128xf32, #tpu.memory_space<vmem_shared>>)
        tpu.yield
      }) : () -> ()
      "tpu.region"() ({
        %run_scoped3A = tpu.sem_alloc : memref<!tpu.dma_semaphore, #tpu.memory_space<semaphore_mem>>
        %dma_start3A_117 = arith.constant 0 : i32
        %dma_start3A_118 = tpu.memref_slice %arg16[%mul3A_12, %dma_start3A_117] : memref<10000x8xf32, #tpu.memory_space<vmem_shared>> -> memref<1000x8xf32, #tpu.memory_space<vmem_shared>>
        tpu.enqueue_dma source(%arg6 : memref<1000x8xf32, #tpu.memory_space<hbm>>) target(%dma_start3A_118 : memref<1000x8xf32, #tpu.memory_space<vmem_shared>>) target_semaphore(%run_scoped3A : memref<!tpu.dma_semaphore, #tpu.memory_space<semaphore_mem>>)
        %dma_wait3A_119 = arith.constant 0 : i32
        %dma_wait3A_120 = tpu.memref_slice %arg16[%mul3A_12, %dma_wait3A_119] : memref<10000x8xf32, #tpu.memory_space<vmem_shared>> -> memref<1000x8xf32, #tpu.memory_space<vmem_shared>>
        tpu.wait_dma2 semaphore(%run_scoped3A : memref<!tpu.dma_semaphore, #tpu.memory_space<semaphore_mem>>) src(%arg6 : memref<1000x8xf32, #tpu.memory_space<hbm>>) dst(%dma_wait3A_120 : memref<1000x8xf32, #tpu.memory_space<vmem_shared>>)
        tpu.yield
      }) : () -> ()
    } else {
    }
    %barrier3A = arith.constant 0 : index
    tpu.barrier barrier_id(%barrier3A)
    %dma_start3A = arith.constant 0 : i32
    %dma_start3A_15 = arith.constant 0 : i32
    %dma_start3A_16 = tpu.memref_slice %arg9[%dma_start3A, %dma_start3A_15] : memref<200x50xi32, #tpu.memory_space<vmem>> -> memref<1x50xi32, #tpu.memory_space<vmem>>
    %dma_start3A_17 = tpu.memref_squeeze %dma_start3A_16 : memref<1x50xi32, #tpu.memory_space<vmem>> -> memref<50xi32, #tpu.memory_space<vmem>>
    %dma_start3A_18 = arith.constant 0 : i32
    %dma_start3A_19 = arith.constant 0 : i32
    %dma_start3A_20 = tpu.memref_slice %arg2[%dma_start3A_18, %dma_start3A_19] : memref<10000x128xf32, #tpu.memory_space<hbm>> -> memref<10000x128xf32, #tpu.memory_space<hbm>>
    tpu.enqueue_indirect_dma source(%dma_start3A_20 : memref<10000x128xf32, #tpu.memory_space<hbm>>) target(%arg11 : memref<50x128xf32, #tpu.memory_space<vmem>>) offsets(%dma_start3A_17 : memref<50xi32, #tpu.memory_space<vmem>>) semaphore(%arg17 : memref<!tpu.dma_semaphore, #tpu.memory_space<semaphore_mem>>)
    %dma_start3A_21 = arith.constant 1 : i32
    %dma_start3A_22 = arith.constant 0 : i32
    %dma_start3A_23 = tpu.memref_slice %arg9[%dma_start3A_21, %dma_start3A_22] : memref<200x50xi32, #tpu.memory_space<vmem>> -> memref<1x50xi32, #tpu.memory_space<vmem>>
    %dma_start3A_24 = tpu.memref_squeeze %dma_start3A_23 : memref<1x50xi32, #tpu.memory_space<vmem>> -> memref<50xi32, #tpu.memory_space<vmem>>
    %dma_start3A_25 = arith.constant 0 : i32
    %dma_start3A_26 = arith.constant 0 : i32
    %dma_start3A_27 = tpu.memref_slice %arg2[%dma_start3A_25, %dma_start3A_26] : memref<10000x128xf32, #tpu.memory_space<hbm>> -> memref<10000x128xf32, #tpu.memory_space<hbm>>
    tpu.enqueue_indirect_dma source(%dma_start3A_27 : memref<10000x128xf32, #tpu.memory_space<hbm>>) target(%arg12 : memref<50x128xf32, #tpu.memory_space<vmem>>) offsets(%dma_start3A_24 : memref<50xi32, #tpu.memory_space<vmem>>) semaphore(%arg18 : memref<!tpu.dma_semaphore, #tpu.memory_space<semaphore_mem>>)
    %dma_start3A_28 = arith.constant 2 : i32
    %dma_start3A_29 = arith.constant 0 : i32
    %dma_start3A_30 = tpu.memref_slice %arg9[%dma_start3A_28, %dma_start3A_29] : memref<200x50xi32, #tpu.memory_space<vmem>> -> memref<1x50xi32, #tpu.memory_space<vmem>>
    %dma_start3A_31 = tpu.memref_squeeze %dma_start3A_30 : memref<1x50xi32, #tpu.memory_space<vmem>> -> memref<50xi32, #tpu.memory_space<vmem>>
    %dma_start3A_32 = arith.constant 0 : i32
    %dma_start3A_33 = arith.constant 0 : i32
    %dma_start3A_34 = tpu.memref_slice %arg2[%dma_start3A_32, %dma_start3A_33] : memref<10000x128xf32, #tpu.memory_space<hbm>> -> memref<10000x128xf32, #tpu.memory_space<hbm>>
    tpu.enqueue_indirect_dma source(%dma_start3A_34 : memref<10000x128xf32, #tpu.memory_space<hbm>>) target(%arg13 : memref<50x128xf32, #tpu.memory_space<vmem>>) offsets(%dma_start3A_31 : memref<50xi32, #tpu.memory_space<vmem>>) semaphore(%arg19 : memref<!tpu.dma_semaphore, #tpu.memory_space<semaphore_mem>>)
    %scan3A_35 = arith.constant 0 : i32
    %scan3A_36 = arith.constant 0 : i32
    %scan3A_37 = arith.constant 66 : i32
    %scan3A_38 = arith.addi %scan3A_36, %scan3A_37 : i32
    %scan3A_39 = arith.constant 1 : i32
    %scan3A_40 = scf.for %scan3A_117 = %scan3A_36 to %scan3A_38 step %scan3A_39 iter_args(%scan3A_118 = %scan3A_35) -> (i32)  : i32 {
      %mul3A_119 = arith.constant 3 : i32
      %mul3A_120 = arith.muli %mul3A_119, %scan3A_117 : i32
      %dma_wait3A_121 = arith.constant 0 : i32
      %dma_wait3A_122 = arith.constant 0 : i32
      %dma_wait3A_123 = tpu.memref_slice %arg9[%dma_wait3A_121, %dma_wait3A_122] : memref<200x50xi32, #tpu.memory_space<vmem>> -> memref<1x50xi32, #tpu.memory_space<vmem>>
      %dma_wait3A_124 = tpu.memref_squeeze %dma_wait3A_123 : memref<1x50xi32, #tpu.memory_space<vmem>> -> memref<50xi32, #tpu.memory_space<vmem>>
      %dma_wait3A_125 = arith.constant 0 : i32
      %dma_wait3A_126 = arith.constant 0 : i32
      %dma_wait3A_127 = tpu.memref_slice %arg2[%dma_wait3A_125, %dma_wait3A_126] : memref<10000x128xf32, #tpu.memory_space<hbm>> -> memref<10000x128xf32, #tpu.memory_space<hbm>>
      tpu.wait_indirect_dma semaphore(%arg17 : memref<!tpu.dma_semaphore, #tpu.memory_space<semaphore_mem>>) src(%dma_wait3A_127 : memref<10000x128xf32, #tpu.memory_space<hbm>>) dst(%arg11 : memref<50x128xf32, #tpu.memory_space<vmem>>)
      %add3A_128 = arith.constant 0 : i32
      %add3A_129 = arith.addi %mul3A_120, %add3A_128 : i32
      %dma_start3A_130 = arith.constant 0 : i32
      %dma_start3A_131 = tpu.memref_slice %arg10[%add3A_129, %dma_start3A_130] : memref<200x50xi32, #tpu.memory_space<vmem>> -> memref<1x50xi32, #tpu.memory_space<vmem>>
      %dma_start3A_132 = tpu.memref_squeeze %dma_start3A_131 : memref<1x50xi32, #tpu.memory_space<vmem>> -> memref<50xi32, #tpu.memory_space<vmem>>
      %dma_start3A_133 = arith.constant 0 : i32
      %dma_start3A_134 = arith.constant 0 : i32
      %dma_start3A_135 = tpu.memref_slice %arg15[%dma_start3A_133, %dma_start3A_134] : memref<10000x128xf32, #tpu.memory_space<vmem_shared>> -> memref<10000x128xf32, #tpu.memory_space<vmem_shared>>
      tpu.enqueue_indirect_dma source(%arg11 : memref<50x128xf32, #tpu.memory_space<vmem>>) target(%dma_start3A_135 : memref<10000x128xf32, #tpu.memory_space<vmem_shared>>) offsets(%dma_start3A_132 : memref<50xi32, #tpu.memory_space<vmem>>) semaphore(%arg20 : memref<!tpu.dma_semaphore, #tpu.memory_space<semaphore_mem>>) {add = true}
      %dma_start3A_136 = arith.constant 0 : i32
      %dma_start3A_137 = tpu.memref_slice %arg10[%add3A_129, %dma_start3A_136] : memref<200x50xi32, #tpu.memory_space<vmem>> -> memref<1x50xi32, #tpu.memory_space<vmem>>
      %dma_start3A_138 = tpu.memref_squeeze %dma_start3A_137 : memref<1x50xi32, #tpu.memory_space<vmem>> -> memref<50xi32, #tpu.memory_space<vmem>>
      %dma_start3A_139 = arith.constant 0 : i32
      %dma_start3A_140 = arith.constant 0 : i32
      %dma_start3A_141 = tpu.memref_slice %arg16[%dma_start3A_139, %dma_start3A_140] : memref<10000x8xf32, #tpu.memory_space<vmem_shared>> -> memref<10000x8xf32, #tpu.memory_space<vmem_shared>>
      tpu.enqueue_indirect_dma source(%arg14 : memref<50x8xf32, #tpu.memory_space<vmem>>) target(%dma_start3A_141 : memref<10000x8xf32, #tpu.memory_space<vmem_shared>>) offsets(%dma_start3A_138 : memref<50xi32, #tpu.memory_space<vmem>>) semaphore(%arg20 : memref<!tpu.dma_semaphore, #tpu.memory_space<semaphore_mem>>) {add = true}
      %dma_wait3A_142 = arith.constant 0 : i32
      %dma_wait3A_143 = arith.constant 0 : i32
      %dma_wait3A_144 = tpu.memref_slice %arg9[%dma_wait3A_142, %dma_wait3A_143] : memref<200x50xi32, #tpu.memory_space<vmem>> -> memref<1x50xi32, #tpu.memory_space<vmem>>
      %dma_wait3A_145 = tpu.memref_squeeze %dma_wait3A_144 : memref<1x50xi32, #tpu.memory_space<vmem>> -> memref<50xi32, #tpu.memory_space<vmem>>
      %dma_wait3A_146 = arith.constant 0 : i32
      %dma_wait3A_147 = arith.constant 0 : i32
      %dma_wait3A_148 = tpu.memref_slice %arg2[%dma_wait3A_146, %dma_wait3A_147] : memref<10000x128xf32, #tpu.memory_space<hbm>> -> memref<10000x128xf32, #tpu.memory_space<hbm>>
      tpu.wait_indirect_dma semaphore(%arg18 : memref<!tpu.dma_semaphore, #tpu.memory_space<semaphore_mem>>) src(%dma_wait3A_148 : memref<10000x128xf32, #tpu.memory_space<hbm>>) dst(%arg12 : memref<50x128xf32, #tpu.memory_space<vmem>>)
      %add3A_149 = arith.constant 1 : i32
      %add3A_150 = arith.addi %mul3A_120, %add3A_149 : i32
      %dma_start3A_151 = arith.constant 0 : i32
      %dma_start3A_152 = tpu.memref_slice %arg10[%add3A_150, %dma_start3A_151] : memref<200x50xi32, #tpu.memory_space<vmem>> -> memref<1x50xi32, #tpu.memory_space<vmem>>
      %dma_start3A_153 = tpu.memref_squeeze %dma_start3A_152 : memref<1x50xi32, #tpu.memory_space<vmem>> -> memref<50xi32, #tpu.memory_space<vmem>>
      %dma_start3A_154 = arith.constant 0 : i32
      %dma_start3A_155 = arith.constant 0 : i32
      %dma_start3A_156 = tpu.memref_slice %arg15[%dma_start3A_154, %dma_start3A_155] : memref<10000x128xf32, #tpu.memory_space<vmem_shared>> -> memref<10000x128xf32, #tpu.memory_space<vmem_shared>>
      tpu.enqueue_indirect_dma source(%arg12 : memref<50x128xf32, #tpu.memory_space<vmem>>) target(%dma_start3A_156 : memref<10000x128xf32, #tpu.memory_space<vmem_shared>>) offsets(%dma_start3A_153 : memref<50xi32, #tpu.memory_space<vmem>>) semaphore(%arg21 : memref<!tpu.dma_semaphore, #tpu.memory_space<semaphore_mem>>) {add = true}
      %dma_start3A_157 = arith.constant 0 : i32
      %dma_start3A_158 = tpu.memref_slice %arg10[%add3A_150, %dma_start3A_157] : memref<200x50xi32, #tpu.memory_space<vmem>> -> memref<1x50xi32, #tpu.memory_space<vmem>>
      %dma_start3A_159 = tpu.memref_squeeze %dma_start3A_158 : memref<1x50xi32, #tpu.memory_space<vmem>> -> memref<50xi32, #tpu.memory_space<vmem>>
      %dma_start3A_160 = arith.constant 0 : i32
      %dma_start3A_161 = arith.constant 0 : i32
      %dma_start3A_162 = tpu.memref_slice %arg16[%dma_start3A_160, %dma_start3A_161] : memref<10000x8xf32, #tpu.memory_space<vmem_shared>> -> memref<10000x8xf32, #tpu.memory_space<vmem_shared>>
      tpu.enqueue_indirect_dma source(%arg14 : memref<50x8xf32, #tpu.memory_space<vmem>>) target(%dma_start3A_162 : memref<10000x8xf32, #tpu.memory_space<vmem_shared>>) offsets(%dma_start3A_159 : memref<50xi32, #tpu.memory_space<vmem>>) semaphore(%arg21 : memref<!tpu.dma_semaphore, #tpu.memory_space<semaphore_mem>>) {add = true}
      %dma_wait3A_163 = arith.constant 0 : i32
      %dma_wait3A_164 = arith.constant 0 : i32
      %dma_wait3A_165 = tpu.memref_slice %arg9[%dma_wait3A_163, %dma_wait3A_164] : memref<200x50xi32, #tpu.memory_space<vmem>> -> memref<1x50xi32, #tpu.memory_space<vmem>>
      %dma_wait3A_166 = tpu.memref_squeeze %dma_wait3A_165 : memref<1x50xi32, #tpu.memory_space<vmem>> -> memref<50xi32, #tpu.memory_space<vmem>>
      %dma_wait3A_167 = arith.constant 0 : i32
      %dma_wait3A_168 = arith.constant 0 : i32
      %dma_wait3A_169 = tpu.memref_slice %arg2[%dma_wait3A_167, %dma_wait3A_168] : memref<10000x128xf32, #tpu.memory_space<hbm>> -> memref<10000x128xf32, #tpu.memory_space<hbm>>
      tpu.wait_indirect_dma semaphore(%arg19 : memref<!tpu.dma_semaphore, #tpu.memory_space<semaphore_mem>>) src(%dma_wait3A_169 : memref<10000x128xf32, #tpu.memory_space<hbm>>) dst(%arg13 : memref<50x128xf32, #tpu.memory_space<vmem>>)
      %add3A_170 = arith.constant 2 : i32
      %add3A_171 = arith.addi %mul3A_120, %add3A_170 : i32
      %dma_start3A_172 = arith.constant 0 : i32
      %dma_start3A_173 = tpu.memref_slice %arg10[%add3A_171, %dma_start3A_172] : memref<200x50xi32, #tpu.memory_space<vmem>> -> memref<1x50xi32, #tpu.memory_space<vmem>>
      %dma_start3A_174 = tpu.memref_squeeze %dma_start3A_173 : memref<1x50xi32, #tpu.memory_space<vmem>> -> memref<50xi32, #tpu.memory_space<vmem>>
      %dma_start3A_175 = arith.constant 0 : i32
      %dma_start3A_176 = arith.constant 0 : i32
      %dma_start3A_177 = tpu.memref_slice %arg15[%dma_start3A_175, %dma_start3A_176] : memref<10000x128xf32, #tpu.memory_space<vmem_shared>> -> memref<10000x128xf32, #tpu.memory_space<vmem_shared>>
      tpu.enqueue_indirect_dma source(%arg13 : memref<50x128xf32, #tpu.memory_space<vmem>>) target(%dma_start3A_177 : memref<10000x128xf32, #tpu.memory_space<vmem_shared>>) offsets(%dma_start3A_174 : memref<50xi32, #tpu.memory_space<vmem>>) semaphore(%arg22 : memref<!tpu.dma_semaphore, #tpu.memory_space<semaphore_mem>>) {add = true}
      %dma_start3A_178 = arith.constant 0 : i32
      %dma_start3A_179 = tpu.memref_slice %arg10[%add3A_171, %dma_start3A_178] : memref<200x50xi32, #tpu.memory_space<vmem>> -> memref<1x50xi32, #tpu.memory_space<vmem>>
      %dma_start3A_180 = tpu.memref_squeeze %dma_start3A_179 : memref<1x50xi32, #tpu.memory_space<vmem>> -> memref<50xi32, #tpu.memory_space<vmem>>
      %dma_start3A_181 = arith.constant 0 : i32
      %dma_start3A_182 = arith.constant 0 : i32
      %dma_start3A_183 = tpu.memref_slice %arg16[%dma_start3A_181, %dma_start3A_182] : memref<10000x8xf32, #tpu.memory_space<vmem_shared>> -> memref<10000x8xf32, #tpu.memory_space<vmem_shared>>
      tpu.enqueue_indirect_dma source(%arg14 : memref<50x8xf32, #tpu.memory_space<vmem>>) target(%dma_start3A_183 : memref<10000x8xf32, #tpu.memory_space<vmem_shared>>) offsets(%dma_start3A_180 : memref<50xi32, #tpu.memory_space<vmem>>) semaphore(%arg22 : memref<!tpu.dma_semaphore, #tpu.memory_space<semaphore_mem>>) {add = true}
      %dma_wait3A_184 = arith.constant 0 : i32
      %dma_wait3A_185 = arith.constant 0 : i32
      %dma_wait3A_186 = tpu.memref_slice %arg10[%dma_wait3A_184, %dma_wait3A_185] : memref<200x50xi32, #tpu.memory_space<vmem>> -> memref<1x50xi32, #tpu.memory_space<vmem>>
      %dma_wait3A_187 = tpu.memref_squeeze %dma_wait3A_186 : memref<1x50xi32, #tpu.memory_space<vmem>> -> memref<50xi32, #tpu.memory_space<vmem>>
      %dma_wait3A_188 = arith.constant 0 : i32
      %dma_wait3A_189 = arith.constant 0 : i32
      %dma_wait3A_190 = tpu.memref_slice %arg15[%dma_wait3A_188, %dma_wait3A_189] : memref<10000x128xf32, #tpu.memory_space<vmem_shared>> -> memref<10000x128xf32, #tpu.memory_space<vmem_shared>>
      tpu.wait_indirect_dma semaphore(%arg20 : memref<!tpu.dma_semaphore, #tpu.memory_space<semaphore_mem>>) src(%arg11 : memref<50x128xf32, #tpu.memory_space<vmem>>) dst(%dma_wait3A_190 : memref<10000x128xf32, #tpu.memory_space<vmem_shared>>)
      %dma_wait3A_191 = arith.constant 0 : i32
      %dma_wait3A_192 = arith.constant 0 : i32
      %dma_wait3A_193 = tpu.memref_slice %arg10[%dma_wait3A_191, %dma_wait3A_192] : memref<200x50xi32, #tpu.memory_space<vmem>> -> memref<1x50xi32, #tpu.memory_space<vmem>>
      %dma_wait3A_194 = tpu.memref_squeeze %dma_wait3A_193 : memref<1x50xi32, #tpu.memory_space<vmem>> -> memref<50xi32, #tpu.memory_space<vmem>>
      %dma_wait3A_195 = arith.constant 0 : i32
      %dma_wait3A_196 = arith.constant 0 : i32
      %dma_wait3A_197 = tpu.memref_slice %arg16[%dma_wait3A_195, %dma_wait3A_196] : memref<10000x8xf32, #tpu.memory_space<vmem_shared>> -> memref<10000x8xf32, #tpu.memory_space<vmem_shared>>
      tpu.wait_indirect_dma semaphore(%arg20 : memref<!tpu.dma_semaphore, #tpu.memory_space<semaphore_mem>>) src(%arg14 : memref<50x8xf32, #tpu.memory_space<vmem>>) dst(%dma_wait3A_197 : memref<10000x8xf32, #tpu.memory_space<vmem_shared>>)
      %add3A_198 = arith.constant 3 : i32
      %add3A_199 = arith.addi %mul3A_120, %add3A_198 : i32
      %add3A_200 = arith.constant 0 : i32
      %add3A_201 = arith.addi %add3A_199, %add3A_200 : i32
      %lt3A_202 = arith.constant 200 : i32
      %lt3A_203 = arith.cmpi slt, %add3A_201, %lt3A_202 : i32
      %convert_element_type3A_204 = arith.extui %lt3A_203 : i1 to i32
      %cond3A_205 = arith.constant 0 : i32
      %cond3A_206 = arith.cmpi ne, %convert_element_type3A_204, %cond3A_205 : i32
      scf.if %cond3A_206 {
        %add3A_254 = arith.constant 3 : i32
        %add3A_255 = arith.addi %mul3A_120, %add3A_254 : i32
        %add3A_256 = arith.constant 0 : i32
        %add3A_257 = arith.addi %add3A_255, %add3A_256 : i32
        %dma_start3A_258 = arith.constant 0 : i32
        %dma_start3A_259 = tpu.memref_slice %arg9[%add3A_257, %dma_start3A_258] : memref<200x50xi32, #tpu.memory_space<vmem>> -> memref<1x50xi32, #tpu.memory_space<vmem>>
        %dma_start3A_260 = tpu.memref_squeeze %dma_start3A_259 : memref<1x50xi32, #tpu.memory_space<vmem>> -> memref<50xi32, #tpu.memory_space<vmem>>
        %dma_start3A_261 = arith.constant 0 : i32
        %dma_start3A_262 = arith.constant 0 : i32
        %dma_start3A_263 = tpu.memref_slice %arg2[%dma_start3A_261, %dma_start3A_262] : memref<10000x128xf32, #tpu.memory_space<hbm>> -> memref<10000x128xf32, #tpu.memory_space<hbm>>
        tpu.enqueue_indirect_dma source(%dma_start3A_263 : memref<10000x128xf32, #tpu.memory_space<hbm>>) target(%arg11 : memref<50x128xf32, #tpu.memory_space<vmem>>) offsets(%dma_start3A_260 : memref<50xi32, #tpu.memory_space<vmem>>) semaphore(%arg17 : memref<!tpu.dma_semaphore, #tpu.memory_space<semaphore_mem>>)
      } else {
      }
      %dma_wait3A_207 = arith.constant 0 : i32
      %dma_wait3A_208 = arith.constant 0 : i32
      %dma_wait3A_209 = tpu.memref_slice %arg10[%dma_wait3A_207, %dma_wait3A_208] : memref<200x50xi32, #tpu.memory_space<vmem>> -> memref<1x50xi32, #tpu.memory_space<vmem>>
      %dma_wait3A_210 = tpu.memref_squeeze %dma_wait3A_209 : memref<1x50xi32, #tpu.memory_space<vmem>> -> memref<50xi32, #tpu.memory_space<vmem>>
      %dma_wait3A_211 = arith.constant 0 : i32
      %dma_wait3A_212 = arith.constant 0 : i32
      %dma_wait3A_213 = tpu.memref_slice %arg15[%dma_wait3A_211, %dma_wait3A_212] : memref<10000x128xf32, #tpu.memory_space<vmem_shared>> -> memref<10000x128xf32, #tpu.memory_space<vmem_shared>>
      tpu.wait_indirect_dma semaphore(%arg21 : memref<!tpu.dma_semaphore, #tpu.memory_space<semaphore_mem>>) src(%arg12 : memref<50x128xf32, #tpu.memory_space<vmem>>) dst(%dma_wait3A_213 : memref<10000x128xf32, #tpu.memory_space<vmem_shared>>)
      %dma_wait3A_214 = arith.constant 0 : i32
      %dma_wait3A_215 = arith.constant 0 : i32
      %dma_wait3A_216 = tpu.memref_slice %arg10[%dma_wait3A_214, %dma_wait3A_215] : memref<200x50xi32, #tpu.memory_space<vmem>> -> memref<1x50xi32, #tpu.memory_space<vmem>>
      %dma_wait3A_217 = tpu.memref_squeeze %dma_wait3A_216 : memref<1x50xi32, #tpu.memory_space<vmem>> -> memref<50xi32, #tpu.memory_space<vmem>>
      %dma_wait3A_218 = arith.constant 0 : i32
      %dma_wait3A_219 = arith.constant 0 : i32
      %dma_wait3A_220 = tpu.memref_slice %arg16[%dma_wait3A_218, %dma_wait3A_219] : memref<10000x8xf32, #tpu.memory_space<vmem_shared>> -> memref<10000x8xf32, #tpu.memory_space<vmem_shared>>
      tpu.wait_indirect_dma semaphore(%arg21 : memref<!tpu.dma_semaphore, #tpu.memory_space<semaphore_mem>>) src(%arg14 : memref<50x8xf32, #tpu.memory_space<vmem>>) dst(%dma_wait3A_220 : memref<10000x8xf32, #tpu.memory_space<vmem_shared>>)
      %add3A_221 = arith.constant 3 : i32
      %add3A_222 = arith.addi %mul3A_120, %add3A_221 : i32
      %add3A_223 = arith.constant 1 : i32
      %add3A_224 = arith.addi %add3A_222, %add3A_223 : i32
      %lt3A_225 = arith.constant 200 : i32
      %lt3A_226 = arith.cmpi slt, %add3A_224, %lt3A_225 : i32
      %convert_element_type3A_227 = arith.extui %lt3A_226 : i1 to i32
      %cond3A_228 = arith.constant 0 : i32
      %cond3A_229 = arith.cmpi ne, %convert_element_type3A_227, %cond3A_228 : i32
      scf.if %cond3A_229 {
        %add3A_254 = arith.constant 3 : i32
        %add3A_255 = arith.addi %mul3A_120, %add3A_254 : i32
        %add3A_256 = arith.constant 1 : i32
        %add3A_257 = arith.addi %add3A_255, %add3A_256 : i32
        %dma_start3A_258 = arith.constant 0 : i32
        %dma_start3A_259 = tpu.memref_slice %arg9[%add3A_257, %dma_start3A_258] : memref<200x50xi32, #tpu.memory_space<vmem>> -> memref<1x50xi32, #tpu.memory_space<vmem>>
        %dma_start3A_260 = tpu.memref_squeeze %dma_start3A_259 : memref<1x50xi32, #tpu.memory_space<vmem>> -> memref<50xi32, #tpu.memory_space<vmem>>
        %dma_start3A_261 = arith.constant 0 : i32
        %dma_start3A_262 = arith.constant 0 : i32
        %dma_start3A_263 = tpu.memref_slice %arg2[%dma_start3A_261, %dma_start3A_262] : memref<10000x128xf32, #tpu.memory_space<hbm>> -> memref<10000x128xf32, #tpu.memory_space<hbm>>
        tpu.enqueue_indirect_dma source(%dma_start3A_263 : memref<10000x128xf32, #tpu.memory_space<hbm>>) target(%arg12 : memref<50x128xf32, #tpu.memory_space<vmem>>) offsets(%dma_start3A_260 : memref<50xi32, #tpu.memory_space<vmem>>) semaphore(%arg18 : memref<!tpu.dma_semaphore, #tpu.memory_space<semaphore_mem>>)
      } else {
      }
      %dma_wait3A_230 = arith.constant 0 : i32
      %dma_wait3A_231 = arith.constant 0 : i32
      %dma_wait3A_232 = tpu.memref_slice %arg10[%dma_wait3A_230, %dma_wait3A_231] : memref<200x50xi32, #tpu.memory_space<vmem>> -> memref<1x50xi32, #tpu.memory_space<vmem>>
      %dma_wait3A_233 = tpu.memref_squeeze %dma_wait3A_232 : memref<1x50xi32, #tpu.memory_space<vmem>> -> memref<50xi32, #tpu.memory_space<vmem>>
      %dma_wait3A_234 = arith.constant 0 : i32
      %dma_wait3A_235 = arith.constant 0 : i32
      %dma_wait3A_236 = tpu.memref_slice %arg15[%dma_wait3A_234, %dma_wait3A_235] : memref<10000x128xf32, #tpu.memory_space<vmem_shared>> -> memref<10000x128xf32, #tpu.memory_space<vmem_shared>>
      tpu.wait_indirect_dma semaphore(%arg22 : memref<!tpu.dma_semaphore, #tpu.memory_space<semaphore_mem>>) src(%arg13 : memref<50x128xf32, #tpu.memory_space<vmem>>) dst(%dma_wait3A_236 : memref<10000x128xf32, #tpu.memory_space<vmem_shared>>)
      %dma_wait3A_237 = arith.constant 0 : i32
      %dma_wait3A_238 = arith.constant 0 : i32
      %dma_wait3A_239 = tpu.memref_slice %arg10[%dma_wait3A_237, %dma_wait3A_238] : memref<200x50xi32, #tpu.memory_space<vmem>> -> memref<1x50xi32, #tpu.memory_space<vmem>>
      %dma_wait3A_240 = tpu.memref_squeeze %dma_wait3A_239 : memref<1x50xi32, #tpu.memory_space<vmem>> -> memref<50xi32, #tpu.memory_space<vmem>>
      %dma_wait3A_241 = arith.constant 0 : i32
      %dma_wait3A_242 = arith.constant 0 : i32
      %dma_wait3A_243 = tpu.memref_slice %arg16[%dma_wait3A_241, %dma_wait3A_242] : memref<10000x8xf32, #tpu.memory_space<vmem_shared>> -> memref<10000x8xf32, #tpu.memory_space<vmem_shared>>
      tpu.wait_indirect_dma semaphore(%arg22 : memref<!tpu.dma_semaphore, #tpu.memory_space<semaphore_mem>>) src(%arg14 : memref<50x8xf32, #tpu.memory_space<vmem>>) dst(%dma_wait3A_243 : memref<10000x8xf32, #tpu.memory_space<vmem_shared>>)
      %add3A_244 = arith.constant 3 : i32
      %add3A_245 = arith.addi %mul3A_120, %add3A_244 : i32
      %add3A_246 = arith.constant 2 : i32
      %add3A_247 = arith.addi %add3A_245, %add3A_246 : i32
      %lt3A_248 = arith.constant 200 : i32
      %lt3A_249 = arith.cmpi slt, %add3A_247, %lt3A_248 : i32
      %convert_element_type3A_250 = arith.extui %lt3A_249 : i1 to i32
      %cond3A_251 = arith.constant 0 : i32
      %cond3A_252 = arith.cmpi ne, %convert_element_type3A_250, %cond3A_251 : i32
      scf.if %cond3A_252 {
        %add3A_254 = arith.constant 3 : i32
        %add3A_255 = arith.addi %mul3A_120, %add3A_254 : i32
        %add3A_256 = arith.constant 2 : i32
        %add3A_257 = arith.addi %add3A_255, %add3A_256 : i32
        %dma_start3A_258 = arith.constant 0 : i32
        %dma_start3A_259 = tpu.memref_slice %arg9[%add3A_257, %dma_start3A_258] : memref<200x50xi32, #tpu.memory_space<vmem>> -> memref<1x50xi32, #tpu.memory_space<vmem>>
        %dma_start3A_260 = tpu.memref_squeeze %dma_start3A_259 : memref<1x50xi32, #tpu.memory_space<vmem>> -> memref<50xi32, #tpu.memory_space<vmem>>
        %dma_start3A_261 = arith.constant 0 : i32
        %dma_start3A_262 = arith.constant 0 : i32
        %dma_start3A_263 = tpu.memref_slice %arg2[%dma_start3A_261, %dma_start3A_262] : memref<10000x128xf32, #tpu.memory_space<hbm>> -> memref<10000x128xf32, #tpu.memory_space<hbm>>
        tpu.enqueue_indirect_dma source(%dma_start3A_263 : memref<10000x128xf32, #tpu.memory_space<hbm>>) target(%arg13 : memref<50x128xf32, #tpu.memory_space<vmem>>) offsets(%dma_start3A_260 : memref<50xi32, #tpu.memory_space<vmem>>) semaphore(%arg19 : memref<!tpu.dma_semaphore, #tpu.memory_space<semaphore_mem>>)
      } else {
      }
      %scan3A_253 = arith.constant 0 : i32
      scf.yield %scan3A_253 : i32
    }
    %scan3A_41 = arith.constant 66 : i32
    %dma_wait3A = arith.constant 0 : i32
    %dma_wait3A_42 = arith.constant 0 : i32
    %dma_wait3A_43 = tpu.memref_slice %arg9[%dma_wait3A, %dma_wait3A_42] : memref<200x50xi32, #tpu.memory_space<vmem>> -> memref<1x50xi32, #tpu.memory_space<vmem>>
    %dma_wait3A_44 = tpu.memref_squeeze %dma_wait3A_43 : memref<1x50xi32, #tpu.memory_space<vmem>> -> memref<50xi32, #tpu.memory_space<vmem>>
    %dma_wait3A_45 = arith.constant 0 : i32
    %dma_wait3A_46 = arith.constant 0 : i32
    %dma_wait3A_47 = tpu.memref_slice %arg2[%dma_wait3A_45, %dma_wait3A_46] : memref<10000x128xf32, #tpu.memory_space<hbm>> -> memref<10000x128xf32, #tpu.memory_space<hbm>>
    tpu.wait_indirect_dma semaphore(%arg17 : memref<!tpu.dma_semaphore, #tpu.memory_space<semaphore_mem>>) src(%dma_wait3A_47 : memref<10000x128xf32, #tpu.memory_space<hbm>>) dst(%arg11 : memref<50x128xf32, #tpu.memory_space<vmem>>)
    %dma_start3A_48 = arith.constant 198 : i32
    %dma_start3A_49 = arith.constant 0 : i32
    %dma_start3A_50 = tpu.memref_slice %arg10[%dma_start3A_48, %dma_start3A_49] : memref<200x50xi32, #tpu.memory_space<vmem>> -> memref<1x50xi32, #tpu.memory_space<vmem>>
    %dma_start3A_51 = tpu.memref_squeeze %dma_start3A_50 : memref<1x50xi32, #tpu.memory_space<vmem>> -> memref<50xi32, #tpu.memory_space<vmem>>
    %dma_start3A_52 = arith.constant 0 : i32
    %dma_start3A_53 = arith.constant 0 : i32
    %dma_start3A_54 = tpu.memref_slice %arg15[%dma_start3A_52, %dma_start3A_53] : memref<10000x128xf32, #tpu.memory_space<vmem_shared>> -> memref<10000x128xf32, #tpu.memory_space<vmem_shared>>
    tpu.enqueue_indirect_dma source(%arg11 : memref<50x128xf32, #tpu.memory_space<vmem>>) target(%dma_start3A_54 : memref<10000x128xf32, #tpu.memory_space<vmem_shared>>) offsets(%dma_start3A_51 : memref<50xi32, #tpu.memory_space<vmem>>) semaphore(%arg20 : memref<!tpu.dma_semaphore, #tpu.memory_space<semaphore_mem>>) {add = true}
    %dma_start3A_55 = arith.constant 198 : i32
    %dma_start3A_56 = arith.constant 0 : i32
    %dma_start3A_57 = tpu.memref_slice %arg10[%dma_start3A_55, %dma_start3A_56] : memref<200x50xi32, #tpu.memory_space<vmem>> -> memref<1x50xi32, #tpu.memory_space<vmem>>
    %dma_start3A_58 = tpu.memref_squeeze %dma_start3A_57 : memref<1x50xi32, #tpu.memory_space<vmem>> -> memref<50xi32, #tpu.memory_space<vmem>>
    %dma_start3A_59 = arith.constant 0 : i32
    %dma_start3A_60 = arith.constant 0 : i32
    %dma_start3A_61 = tpu.memref_slice %arg16[%dma_start3A_59, %dma_start3A_60] : memref<10000x8xf32, #tpu.memory_space<vmem_shared>> -> memref<10000x8xf32, #tpu.memory_space<vmem_shared>>
    tpu.enqueue_indirect_dma source(%arg14 : memref<50x8xf32, #tpu.memory_space<vmem>>) target(%dma_start3A_61 : memref<10000x8xf32, #tpu.memory_space<vmem_shared>>) offsets(%dma_start3A_58 : memref<50xi32, #tpu.memory_space<vmem>>) semaphore(%arg20 : memref<!tpu.dma_semaphore, #tpu.memory_space<semaphore_mem>>) {add = true}
    %dma_wait3A_62 = arith.constant 0 : i32
    %dma_wait3A_63 = arith.constant 0 : i32
    %dma_wait3A_64 = tpu.memref_slice %arg9[%dma_wait3A_62, %dma_wait3A_63] : memref<200x50xi32, #tpu.memory_space<vmem>> -> memref<1x50xi32, #tpu.memory_space<vmem>>
    %dma_wait3A_65 = tpu.memref_squeeze %dma_wait3A_64 : memref<1x50xi32, #tpu.memory_space<vmem>> -> memref<50xi32, #tpu.memory_space<vmem>>
    %dma_wait3A_66 = arith.constant 0 : i32
    %dma_wait3A_67 = arith.constant 0 : i32
    %dma_wait3A_68 = tpu.memref_slice %arg2[%dma_wait3A_66, %dma_wait3A_67] : memref<10000x128xf32, #tpu.memory_space<hbm>> -> memref<10000x128xf32, #tpu.memory_space<hbm>>
    tpu.wait_indirect_dma semaphore(%arg18 : memref<!tpu.dma_semaphore, #tpu.memory_space<semaphore_mem>>) src(%dma_wait3A_68 : memref<10000x128xf32, #tpu.memory_space<hbm>>) dst(%arg12 : memref<50x128xf32, #tpu.memory_space<vmem>>)
    %dma_start3A_69 = arith.constant 199 : i32
    %dma_start3A_70 = arith.constant 0 : i32
    %dma_start3A_71 = tpu.memref_slice %arg10[%dma_start3A_69, %dma_start3A_70] : memref<200x50xi32, #tpu.memory_space<vmem>> -> memref<1x50xi32, #tpu.memory_space<vmem>>
    %dma_start3A_72 = tpu.memref_squeeze %dma_start3A_71 : memref<1x50xi32, #tpu.memory_space<vmem>> -> memref<50xi32, #tpu.memory_space<vmem>>
    %dma_start3A_73 = arith.constant 0 : i32
    %dma_start3A_74 = arith.constant 0 : i32
    %dma_start3A_75 = tpu.memref_slice %arg15[%dma_start3A_73, %dma_start3A_74] : memref<10000x128xf32, #tpu.memory_space<vmem_shared>> -> memref<10000x128xf32, #tpu.memory_space<vmem_shared>>
    tpu.enqueue_indirect_dma source(%arg12 : memref<50x128xf32, #tpu.memory_space<vmem>>) target(%dma_start3A_75 : memref<10000x128xf32, #tpu.memory_space<vmem_shared>>) offsets(%dma_start3A_72 : memref<50xi32, #tpu.memory_space<vmem>>) semaphore(%arg21 : memref<!tpu.dma_semaphore, #tpu.memory_space<semaphore_mem>>) {add = true}
    %dma_start3A_76 = arith.constant 199 : i32
    %dma_start3A_77 = arith.constant 0 : i32
    %dma_start3A_78 = tpu.memref_slice %arg10[%dma_start3A_76, %dma_start3A_77] : memref<200x50xi32, #tpu.memory_space<vmem>> -> memref<1x50xi32, #tpu.memory_space<vmem>>
    %dma_start3A_79 = tpu.memref_squeeze %dma_start3A_78 : memref<1x50xi32, #tpu.memory_space<vmem>> -> memref<50xi32, #tpu.memory_space<vmem>>
    %dma_start3A_80 = arith.constant 0 : i32
    %dma_start3A_81 = arith.constant 0 : i32
    %dma_start3A_82 = tpu.memref_slice %arg16[%dma_start3A_80, %dma_start3A_81] : memref<10000x8xf32, #tpu.memory_space<vmem_shared>> -> memref<10000x8xf32, #tpu.memory_space<vmem_shared>>
    tpu.enqueue_indirect_dma source(%arg14 : memref<50x8xf32, #tpu.memory_space<vmem>>) target(%dma_start3A_82 : memref<10000x8xf32, #tpu.memory_space<vmem_shared>>) offsets(%dma_start3A_79 : memref<50xi32, #tpu.memory_space<vmem>>) semaphore(%arg21 : memref<!tpu.dma_semaphore, #tpu.memory_space<semaphore_mem>>) {add = true}
    %dma_wait3A_83 = arith.constant 0 : i32
    %dma_wait3A_84 = arith.constant 0 : i32
    %dma_wait3A_85 = tpu.memref_slice %arg10[%dma_wait3A_83, %dma_wait3A_84] : memref<200x50xi32, #tpu.memory_space<vmem>> -> memref<1x50xi32, #tpu.memory_space<vmem>>
    %dma_wait3A_86 = tpu.memref_squeeze %dma_wait3A_85 : memref<1x50xi32, #tpu.memory_space<vmem>> -> memref<50xi32, #tpu.memory_space<vmem>>
    %dma_wait3A_87 = arith.constant 0 : i32
    %dma_wait3A_88 = arith.constant 0 : i32
    %dma_wait3A_89 = tpu.memref_slice %arg15[%dma_wait3A_87, %dma_wait3A_88] : memref<10000x128xf32, #tpu.memory_space<vmem_shared>> -> memref<10000x128xf32, #tpu.memory_space<vmem_shared>>
    tpu.wait_indirect_dma semaphore(%arg20 : memref<!tpu.dma_semaphore, #tpu.memory_space<semaphore_mem>>) src(%arg11 : memref<50x128xf32, #tpu.memory_space<vmem>>) dst(%dma_wait3A_89 : memref<10000x128xf32, #tpu.memory_space<vmem_shared>>)
    %dma_wait3A_90 = arith.constant 0 : i32
    %dma_wait3A_91 = arith.constant 0 : i32
    %dma_wait3A_92 = tpu.memref_slice %arg10[%dma_wait3A_90, %dma_wait3A_91] : memref<200x50xi32, #tpu.memory_space<vmem>> -> memref<1x50xi32, #tpu.memory_space<vmem>>
    %dma_wait3A_93 = tpu.memref_squeeze %dma_wait3A_92 : memref<1x50xi32, #tpu.memory_space<vmem>> -> memref<50xi32, #tpu.memory_space<vmem>>
    %dma_wait3A_94 = arith.constant 0 : i32
    %dma_wait3A_95 = arith.constant 0 : i32
    %dma_wait3A_96 = tpu.memref_slice %arg16[%dma_wait3A_94, %dma_wait3A_95] : memref<10000x8xf32, #tpu.memory_space<vmem_shared>> -> memref<10000x8xf32, #tpu.memory_space<vmem_shared>>
    tpu.wait_indirect_dma semaphore(%arg20 : memref<!tpu.dma_semaphore, #tpu.memory_space<semaphore_mem>>) src(%arg14 : memref<50x8xf32, #tpu.memory_space<vmem>>) dst(%dma_wait3A_96 : memref<10000x8xf32, #tpu.memory_space<vmem_shared>>)
    %dma_wait3A_97 = arith.constant 0 : i32
    %dma_wait3A_98 = arith.constant 0 : i32
    %dma_wait3A_99 = tpu.memref_slice %arg10[%dma_wait3A_97, %dma_wait3A_98] : memref<200x50xi32, #tpu.memory_space<vmem>> -> memref<1x50xi32, #tpu.memory_space<vmem>>
    %dma_wait3A_100 = tpu.memref_squeeze %dma_wait3A_99 : memref<1x50xi32, #tpu.memory_space<vmem>> -> memref<50xi32, #tpu.memory_space<vmem>>
    %dma_wait3A_101 = arith.constant 0 : i32
    %dma_wait3A_102 = arith.constant 0 : i32
    %dma_wait3A_103 = tpu.memref_slice %arg15[%dma_wait3A_101, %dma_wait3A_102] : memref<10000x128xf32, #tpu.memory_space<vmem_shared>> -> memref<10000x128xf32, #tpu.memory_space<vmem_shared>>
    tpu.wait_indirect_dma semaphore(%arg21 : memref<!tpu.dma_semaphore, #tpu.memory_space<semaphore_mem>>) src(%arg12 : memref<50x128xf32, #tpu.memory_space<vmem>>) dst(%dma_wait3A_103 : memref<10000x128xf32, #tpu.memory_space<vmem_shared>>)
    %dma_wait3A_104 = arith.constant 0 : i32
    %dma_wait3A_105 = arith.constant 0 : i32
    %dma_wait3A_106 = tpu.memref_slice %arg10[%dma_wait3A_104, %dma_wait3A_105] : memref<200x50xi32, #tpu.memory_space<vmem>> -> memref<1x50xi32, #tpu.memory_space<vmem>>
    %dma_wait3A_107 = tpu.memref_squeeze %dma_wait3A_106 : memref<1x50xi32, #tpu.memory_space<vmem>> -> memref<50xi32, #tpu.memory_space<vmem>>
    %dma_wait3A_108 = arith.constant 0 : i32
    %dma_wait3A_109 = arith.constant 0 : i32
    %dma_wait3A_110 = tpu.memref_slice %arg16[%dma_wait3A_108, %dma_wait3A_109] : memref<10000x8xf32, #tpu.memory_space<vmem_shared>> -> memref<10000x8xf32, #tpu.memory_space<vmem_shared>>
    tpu.wait_indirect_dma semaphore(%arg21 : memref<!tpu.dma_semaphore, #tpu.memory_space<semaphore_mem>>) src(%arg14 : memref<50x8xf32, #tpu.memory_space<vmem>>) dst(%dma_wait3A_110 : memref<10000x8xf32, #tpu.memory_space<vmem_shared>>)
    %barrier3A_111 = arith.constant 0 : index
    tpu.barrier barrier_id(%barrier3A_111)
    %lt3A_112 = arith.constant 10 : i32
    %lt3A_113 = arith.cmpi slt, %arg1, %lt3A_112 : i32
    %convert_element_type3A_114 = arith.extui %lt3A_113 : i1 to i32
    %cond3A_115 = arith.constant 0 : i32
    %cond3A_116 = arith.cmpi ne, %convert_element_type3A_114, %cond3A_115 : i32
    scf.if %cond3A_116 {
      "tpu.region"() ({
        %run_scoped3A = tpu.sem_alloc : memref<!tpu.dma_semaphore, #tpu.memory_space<semaphore_mem>>
        %dma_start3A_117 = arith.constant 0 : i32
        %dma_start3A_118 = tpu.memref_slice %arg7[%arg0, %mul3A_12, %dma_start3A_117] : memref<2x10000x128xf32, #tpu.memory_space<hbm>> -> memref<1x1000x128xf32, #tpu.memory_space<hbm>>
        %dma_start3A_119 = tpu.memref_squeeze %dma_start3A_118 : memref<1x1000x128xf32, #tpu.memory_space<hbm>> -> memref<1000x128xf32, #tpu.memory_space<hbm>>
        %dma_start3A_120 = arith.constant 0 : i32
        %dma_start3A_121 = tpu.memref_slice %arg15[%mul3A_12, %dma_start3A_120] : memref<10000x128xf32, #tpu.memory_space<vmem_shared>> -> memref<1000x128xf32, #tpu.memory_space<vmem_shared>>
        tpu.enqueue_dma source(%dma_start3A_121 : memref<1000x128xf32, #tpu.memory_space<vmem_shared>>) target(%dma_start3A_119 : memref<1000x128xf32, #tpu.memory_space<hbm>>) target_semaphore(%run_scoped3A : memref<!tpu.dma_semaphore, #tpu.memory_space<semaphore_mem>>)
        %dma_wait3A_122 = arith.constant 0 : i32
        %dma_wait3A_123 = tpu.memref_slice %arg7[%arg0, %mul3A_12, %dma_wait3A_122] : memref<2x10000x128xf32, #tpu.memory_space<hbm>> -> memref<1x1000x128xf32, #tpu.memory_space<hbm>>
        %dma_wait3A_124 = tpu.memref_squeeze %dma_wait3A_123 : memref<1x1000x128xf32, #tpu.memory_space<hbm>> -> memref<1000x128xf32, #tpu.memory_space<hbm>>
        %dma_wait3A_125 = arith.constant 0 : i32
        %dma_wait3A_126 = tpu.memref_slice %arg15[%mul3A_12, %dma_wait3A_125] : memref<10000x128xf32, #tpu.memory_space<vmem_shared>> -> memref<1000x128xf32, #tpu.memory_space<vmem_shared>>
        tpu.wait_dma2 semaphore(%run_scoped3A : memref<!tpu.dma_semaphore, #tpu.memory_space<semaphore_mem>>) src(%dma_wait3A_126 : memref<1000x128xf32, #tpu.memory_space<vmem_shared>>) dst(%dma_wait3A_124 : memref<1000x128xf32, #tpu.memory_space<hbm>>)
        tpu.yield
      }) : () -> ()
      "tpu.region"() ({
        %run_scoped3A = tpu.sem_alloc : memref<!tpu.dma_semaphore, #tpu.memory_space<semaphore_mem>>
        %dma_start3A_117 = arith.constant 0 : i32
        %dma_start3A_118 = tpu.memref_slice %arg8[%arg0, %mul3A_12, %dma_start3A_117] : memref<2x10000x8xf32, #tpu.memory_space<hbm>> -> memref<1x1000x8xf32, #tpu.memory_space<hbm>>
        %dma_start3A_119 = tpu.memref_squeeze %dma_start3A_118 : memref<1x1000x8xf32, #tpu.memory_space<hbm>> -> memref<1000x8xf32, #tpu.memory_space<hbm>>
        %dma_start3A_120 = arith.constant 0 : i32
        %dma_start3A_121 = tpu.memref_slice %arg16[%mul3A_12, %dma_start3A_120] : memref<10000x8xf32, #tpu.memory_space<vmem_shared>> -> memref<1000x8xf32, #tpu.memory_space<vmem_shared>>
        tpu.enqueue_dma source(%dma_start3A_121 : memref<1000x8xf32, #tpu.memory_space<vmem_shared>>) target(%dma_start3A_119 : memref<1000x8xf32, #tpu.memory_space<hbm>>) target_semaphore(%run_scoped3A : memref<!tpu.dma_semaphore, #tpu.memory_space<semaphore_mem>>)
        %dma_wait3A_122 = arith.constant 0 : i32
        %dma_wait3A_123 = tpu.memref_slice %arg8[%arg0, %mul3A_12, %dma_wait3A_122] : memref<2x10000x8xf32, #tpu.memory_space<hbm>> -> memref<1x1000x8xf32, #tpu.memory_space<hbm>>
        %dma_wait3A_124 = tpu.memref_squeeze %dma_wait3A_123 : memref<1x1000x8xf32, #tpu.memory_space<hbm>> -> memref<1000x8xf32, #tpu.memory_space<hbm>>
        %dma_wait3A_125 = arith.constant 0 : i32
        %dma_wait3A_126 = tpu.memref_slice %arg16[%mul3A_12, %dma_wait3A_125] : memref<10000x8xf32, #tpu.memory_space<vmem_shared>> -> memref<1000x8xf32, #tpu.memory_space<vmem_shared>>
        tpu.wait_dma2 semaphore(%run_scoped3A : memref<!tpu.dma_semaphore, #tpu.memory_space<semaphore_mem>>) src(%dma_wait3A_126 : memref<1000x8xf32, #tpu.memory_space<vmem_shared>>) dst(%dma_wait3A_124 : memref<1000x8xf32, #tpu.memory_space<hbm>>)
        tpu.yield
      }) : () -> ()
    } else {
    }
    return
  }
}

module attributes {stable_mosaic.version = 14 : i64} {
  func.func @_tc_body(%arg0: i32, %arg1: memref<1000x128xf32, #tpu.memory_space<vmem>>, %arg2: memref<2x1000x128xf32, #tpu.memory_space<vmem>>, %arg3: memref<2x1000x8xf32, #tpu.memory_space<vmem>>, %arg4: memref<1000x256xf32, #tpu.memory_space<vmem>>) attributes {dimension_semantics = [#tpu.dimension_semantics<arbitrary>], iteration_bounds = array<i64: 10>, scalar_prefetch = 0 : i64, scratch_operands = 0 : i64, tpu.core_type = #tpu.core_type<tc>, window_params = [{transform_indices = @transform_0, window_bounds = array<i64: 1000, 128>}, {transform_indices = @transform_1, window_bounds = array<i64: 2, 1000, 128>}, {transform_indices = @transform_2, window_bounds = array<i64: 2, 1000, 8>}, {transform_indices = @transform_3, window_bounds = array<i64: 1000, 256>}]} {
    %get3A = arith.constant 0 : index
    %get3A_0 = arith.constant 0 : index
    %get3A_1 = arith.constant 0 : index
    %get3A_2 = vector.load %arg3[%get3A, %get3A_0, %get3A_1] : memref<2x1000x8xf32, #tpu.memory_space<vmem>>, vector<2x1000x8xf32>
    %reduce_sum3A = arith.constant dense<0.000000e+00> : vector<1000xf32>
    %reduce_sum3A_3 = vector.multi_reduction <add>, %get3A_2, %reduce_sum3A [0, 2] : vector<2x1000x8xf32> to vector<1000xf32>
    %mul3A = arith.constant 1.250000e-01 : f32
    %mul3A_4 = vector.broadcast %mul3A : f32 to vector<1000xf32>
    %mul3A_5 = arith.mulf %reduce_sum3A_3, %mul3A_4 : vector<1000xf32>
    %get3A_6 = arith.constant 0 : index
    %get3A_7 = arith.constant 0 : index
    %get3A_8 = arith.constant 0 : index
    %get3A_9 = vector.load %arg2[%get3A_6, %get3A_7, %get3A_8] : memref<2x1000x128xf32, #tpu.memory_space<vmem>>, vector<1x1000x128xf32>
    %get3A_10 = vector.shape_cast %get3A_9 : vector<1x1000x128xf32> to vector<1000x128xf32>
    %get3A_11 = arith.constant 1 : index
    %get3A_12 = arith.constant 0 : index
    %get3A_13 = arith.constant 0 : index
    %get3A_14 = vector.load %arg2[%get3A_11, %get3A_12, %get3A_13] : memref<2x1000x128xf32, #tpu.memory_space<vmem>>, vector<1x1000x128xf32>
    %get3A_15 = vector.shape_cast %get3A_14 : vector<1x1000x128xf32> to vector<1000x128xf32>
    %add3A = arith.addf %get3A_10, %get3A_15 : vector<1000x128xf32>
    %max3A = arith.constant 1.000000e+00 : f32
    %max3A_16 = vector.broadcast %max3A : f32 to vector<1000xf32>
    %max3A_17 = arith.maximumf %mul3A_5, %max3A_16 : vector<1000xf32>
    %div3A = arith.constant 1.000000e+00 : f32
    %div3A_18 = vector.broadcast %div3A : f32 to vector<1000xf32>
    %div3A_19 = arith.divf %div3A_18, %max3A_17 : vector<1000xf32>
    %broadcast_in_dim3A = vector.shape_cast %div3A_19 : vector<1000xf32> to vector<1000x1xf32>
    %mul3A_20 = vector.broadcast %broadcast_in_dim3A : vector<1000x1xf32> to vector<1000x128xf32>
    %mul3A_21 = arith.mulf %add3A, %mul3A_20 : vector<1000x128xf32>
    %swap3A = arith.constant 0 : index
    %swap3A_22 = arith.constant 0 : index
    %swap3A_23 = vector.load %arg4[%swap3A, %swap3A_22] : memref<1000x256xf32, #tpu.memory_space<vmem>>, vector<1000x128xf32>
    tpu.vector_store %arg4[%swap3A, %swap3A_22], %mul3A_21 {strides = array<i32>} : memref<1000x256xf32, #tpu.memory_space<vmem>>, vector<1000x128xf32>,
    %gt3A = arith.constant 0.000000e+00 : f32
    %gt3A_24 = vector.broadcast %gt3A : f32 to vector<1000xf32>
    %gt3A_25 = arith.cmpf ogt, %mul3A_5, %gt3A_24 : vector<1000xf32>
    %jit3A = arith.constant 1.000000e+00 : f32
    %jit3A_26 = arith.constant 0.000000e+00 : f32
    %broadcast_in_dim3A_27 = vector.broadcast %jit3A : f32 to vector<1000xf32>
    %broadcast_in_dim3A_28 = vector.broadcast %jit3A_26 : f32 to vector<1000xf32>
    %select_n3A = arith.select %gt3A_25, %broadcast_in_dim3A_27, %broadcast_in_dim3A_28 : vector<1000xi1>, vector<1000xf32>
    %get3A_29 = arith.constant 0 : index
    %get3A_30 = arith.constant 0 : index
    %get3A_31 = vector.load %arg1[%get3A_29, %get3A_30] : memref<1000x128xf32, #tpu.memory_space<vmem>>, vector<1000x128xf32>
    %broadcast_in_dim3A_32 = vector.shape_cast %select_n3A : vector<1000xf32> to vector<1000x1xf32>
    %mul3A_33 = vector.broadcast %broadcast_in_dim3A_32 : vector<1000x1xf32> to vector<1000x128xf32>
    %mul3A_34 = arith.mulf %get3A_31, %mul3A_33 : vector<1000x128xf32>
    %swap3A_35 = arith.constant 0 : index
    %swap3A_36 = arith.constant 128 : index
    %swap3A_37 = vector.load %arg4[%swap3A_35, %swap3A_36] : memref<1000x256xf32, #tpu.memory_space<vmem>>, vector<1000x128xf32>
    tpu.vector_store %arg4[%swap3A_35, %swap3A_36], %mul3A_34 {strides = array<i32>} : memref<1000x256xf32, #tpu.memory_space<vmem>>, vector<1000x128xf32>,
    return
  }
  func.func @transform_0(%arg0: i32) -> (i32, i32) {
    %c0_i32 = arith.constant 0 : i32
    %c0_i32_0 = arith.constant 0 : i32
    return %arg0, %c0_i32 : i32, i32
  }
  func.func @transform_1(%arg0: i32) -> (i32, i32, i32) {
    %c0_i32 = arith.constant 0 : i32
    %c0_i32_0 = arith.constant 0 : i32
    %c0_i32_1 = arith.constant 0 : i32
    return %c0_i32, %arg0, %c0_i32_0 : i32, i32, i32
  }
  func.func @transform_2(%arg0: i32) -> (i32, i32, i32) {
    %c0_i32 = arith.constant 0 : i32
    %c0_i32_0 = arith.constant 0 : i32
    %c0_i32_1 = arith.constant 0 : i32
    return %c0_i32, %arg0, %c0_i32_0 : i32, i32, i32
  }
  func.func @transform_3(%arg0: i32) -> (i32, i32) {
    %c0_i32 = arith.constant 0 : i32
    %c0_i32_0 = arith.constant 0 : i32
    return %arg0, %c0_i32 : i32, i32
  }
}

</mosaic_0001>

<sc_bundles>
// kernel: kernel.4.cloned.1.call-start
scs
__scs_entry_jumppad:
0x0: {  	(pc) =	sbr.rel $0x88, $3  }
0x1: {  	(tag) =	ssettag $0x0;
	lr =	simm.s32 $0x1  }
0x2: {  	[smem:$0x3F9F] =	sst lr;
	_ =	strace $0xD0000000  }
0x3: {  	_ = 	snop  }
0x4: {  	_ = 	snop  }
0x5: {  	_ = 	snop  }
0x6: {  	_ = 	snop  }
0x7: {  	_ = 	snop  }
__scs_overlays_trampoline_lowered:
0x8: {  	[smem:$0x3FAE] =	sst s0  }
0x9: {  	[smem:$0x3FAF] =	sst s1  }
0xa: {  	[smem:$0x3FB0] =	sst s2  }
0xb: {  	[smem:$0x3FB1] =	sst s3  }
0xc: {  	[smem:$0x3FB2] =	sst s4  }
0xd: {  	[smem:$0x3FB3] =	sst s5  }
0xe: {  	[smem:$0x3FB4] =	sst s6  }
0xf: {  	[smem:$0x3FB5] =	sst s7  }
0x10: {  	[smem:$0x3FB6] =	sst s8  }
0x11: {  	[smem:$0x3FB7] =	sst s9;
	s0 =	simm.s32 @!p0 $0x0  }
0x12: {  	s1 =	sld [smem:$0x3F9D];
	s0 =	simm.s32 @p0 $0x1  }
0x13: {  	[smem:$0x3FB8] =	sst s0;
	s0 =	simm.s32 @!p1 $0x0  }
0x14: {  	s2 =	sld [smem:$0x3F9C];
	s0 =	simm.s32 @p1 $0x1  }
0x15: {  	[smem:$0x3FB9] =	sst s0;
	s0 =	simm.s32 @!p2 $0x0  }
0x16: {  	s3 =	sld [smem:$0x3FDB];
	s0 =	simm.s32 @p2 $0x1  }
0x17: {  	s4 =	simm.s32 $0x1BF5;
	[smem:$0x3FBB] =	sst s0  }
0x18: {  	s0 =	sld [smem:$0x3F9E];
	_ =	swait.ge [sflag:s4], $0x0  }
0x19: {  	s7 =	sld [smem:$0x3F9F]  }
0x1a: {  	s8 =	sadd.s32 $0xFFFFE003, lr  }
0x1b: {  	s9 =	sadd.s32 $0xFFFFFEF7, lr;
	s5 =	simm.s32 $0xFFFFFFFF;
	p2 =	slt.u32 s8, $0xFFFFF086  }
0x1c: {  	p1 =	slt.u32 s9, $0xF7A;
	s5 =	simm.s32 @!p2 $0x0  }
0x1d: {  	s5 =	simm.s32 @p1 $0x1;
	p0 =	seq.s32 s7, s2  }
0x1e: {  	s7 =	smul.u32 @!p0 $0xF7A, s2;
	p2 =	seq.s32 @!p0 s5, $0x0  }
0x1f: {  	s9 =	smul.u32 $0xF7A, s1;
	s8 =	simm.s32 @!p0 $0x1BF5;
	p2 =	por !p2, p0  }
0x20: {  	[sflag:s8] =	ssyncset.s32 @!p0 $0xFFFFF086;
	s6 =	sadd.s32 @!p0 s3, s7;
	s7 =	simm.s32 @!p0 $0x108  }
0x21: {  	s3 =	sadd.s32 s3, s9;
	s6 =	sadd.s32 @!p0 $0x88, s6;
	s7 =	simm.s32 @p2 $0x1082  }
0x22: {  	[simem:s7], [sflag:s8] =	dma.local @!p0 [hbm:s6], $0xF7A  }
0x23: {  	s9 =	sor.u32 $0xD0000000, s2;
	s6 =	simm.s32 $0x108;
	_ =	swait.ge @!p0 [sflag:s8], $0x0  }
0x24: {  	s3 =	sadd.s32 $0x88, s3;
	s6 =	simm.s32 @!p1 $0x1082;
	[sflag:s4] =	ssyncset.s32 $0xFFFFF086  }
0x25: {  	[simem:s6], [sflag:s4] =	dma.local [hbm:s3], $0xF7A  }
0x26: {  	[smem:$0x3F9F] =	sst s1;
	(tag) =	ssettag s2;
	_ =	strace s9  }
0x27: {  	s1 =	sld [smem:$0x3FAF]  }
0x28: {  	s2 =	sld [smem:$0x3FB0]  }
0x29: {  	s4 =	sld [smem:$0x3FB2]  }
0x2a: {  	p0 =	seq.s32 s5, $0x0;
	s5 =	sld [smem:$0x3FB3]  }
0x2b: {  	s6 =	sld [smem:$0x3FB4]  }
0x2c: {  	s7 =	sld [smem:$0x3FB5]  }
0x2d: {  	s3 =	simm.s32 $0x108;
	s8 =	sld [smem:$0x3FB6]  }
0x2e: {  	s3 =	simm.s32 @!p0 $0x1082;
	s9 =	sld [smem:$0x3FB7]  }
0x2f: {  	lr =	sadd.s32 s0, s3;
	s0 =	sld [smem:$0x3FAE]  }
0x30: {  	s3 =	sld [smem:$0x3FB1]  }
0x31: {  	[smem:$0x3FBA] =	sst s10  }
0x32: {  	s10 =	sld [smem:$0x3FB8];
	_ =	sdelay $0x3  }
0x33: {  	p0 =	seq.s32 s10, $0x1;
	s10 =	sld [smem:$0x3FBA];
	_ =	sdelay $0x3  }
0x34: {  	[smem:$0x3FBA] =	sst s10  }
0x35: {  	s10 =	sld [smem:$0x3FB9];
	_ =	sdelay $0x3  }
0x36: {  	p1 =	seq.s32 s10, $0x1;
	s10 =	sld [smem:$0x3FBA];
	_ =	sdelay $0x3  }
0x37: {  	[smem:$0x3FBA] =	sst s10  }
0x38: {  	s10 =	sld [smem:$0x3FBB]  }
0x39: {  	_ = 	snop;
	(pc) =	sbr.ind lr, $3  }
0x3a: {  	_ = 	snop  }
0x3b: {  	_ = 	snop  }
0x3c: {  	p2 =	seq.s32 s10, $0x1;
	s10 =	sld [smem:$0x3FBA]  }
0x3d: {  	_ =	shalt  }
0x3e: {  	_ =	shalt  }
0x3f: {  	_ =	shalt  }
0x40: {  	_ =	shalt  }
0x41: {  	_ =	shalt  }
0x42: {  	_ =	shalt  }
0x43: {  	_ =	shalt  }
0x44: {  	_ =	shalt  }
0x45: {  	_ =	shalt  }
0x46: {  	_ =	shalt  }
0x47: {  	_ =	shalt  }
0x48: {  	_ =	shalt  }
0x49: {  	_ =	shalt  }
0x4a: {  	_ =	shalt  }
0x4b: {  	_ =	shalt  }
0x4c: {  	_ =	shalt  }
0x4d: {  	_ =	shalt  }
0x4e: {  	_ =	shalt  }
0x4f: {  	_ =	shalt  }
0x50: {  	_ =	shalt  }
0x51: {  	_ =	shalt  }
0x52: {  	_ =	shalt  }
0x53: {  	_ =	shalt  }
0x54: {  	_ =	shalt  }
0x55: {  	_ =	shalt  }
0x56: {  	_ =	shalt  }
0x57: {  	_ =	shalt  }
0x58: {  	_ =	shalt  }
0x59: {  	_ =	shalt  }
0x5a: {  	_ =	shalt  }
0x5b: {  	_ =	shalt  }
0x5c: {  	_ =	shalt  }
0x5d: {  	_ =	shalt  }
0x5e: {  	_ =	shalt  }
0x5f: {  	_ =	shalt  }
0x60: {  	_ =	shalt  }
0x61: {  	_ =	shalt  }
0x62: {  	_ =	shalt  }
0x63: {  	_ =	shalt  }
0x64: {  	_ =	shalt  }
0x65: {  	_ =	shalt  }
0x66: {  	_ =	shalt  }
0x67: {  	_ =	shalt  }
0x68: {  	_ =	shalt  }
0x69: {  	_ =	shalt  }
0x6a: {  	_ =	shalt  }
0x6b: {  	_ =	shalt  }
0x6c: {  	_ =	shalt  }
0x6d: {  	_ =	shalt  }
0x6e: {  	_ =	shalt  }
0x6f: {  	_ =	shalt  }
0x70: {  	_ =	shalt  }
0x71: {  	_ =	shalt  }
0x72: {  	_ =	shalt  }
0x73: {  	_ =	shalt  }
0x74: {  	_ =	shalt  }
0x75: {  	_ =	shalt  }
0x76: {  	_ =	shalt  }
0x77: {  	_ =	shalt  }
0x78: {  	_ =	shalt  }
0x79: {  	_ =	shalt  }
0x7a: {  	_ =	shalt  }
0x7b: {  	_ =	shalt  }
0x7c: {  	_ =	shalt  }
0x7d: {  	_ =	shalt  }
0x7e: {  	_ =	shalt  }
0x7f: {  	_ =	shalt  }
0x80: {  	_ =	shalt  }
0x81: {  	_ =	shalt  }
0x82: {  	_ =	shalt  }
0x83: {  	_ =	shalt  }
0x84: {  	_ =	shalt  }
0x85: {  	_ =	shalt  }
0x86: {  	_ =	shalt  }
0x87: {  	_ =	shalt  }
.Lfunc_end0:
.L_simem_size_0:
called_computation_lowered:
.L_overlay_start_0:
0x88: {  	s2 =	sld [smem:$0x3FD9]  }
0x89: {  	s3 =	sld [smem:$0x3FFE];
	_ =	sdelay $0x1  }
0x8a: {  	s1 =	srdreg.scid  }
0x8b: {  	s0 =	sand.u32 $0x1, s1  }
0x8c: {  	s17 =	sshll.u32 s0, $0xA;
	s2 =	sadd.s32 s3, s2  }
0x8d: {  	s2 =	sadd.s32 s2, s17  }
0x8e: {  	[smem:$0x3FC6] =	sst s2  }
0x8f: {  	_ = 	snop  }
0x90: {  	s2 =	sld [smem:$0x3FC9]  }
0x91: {  	s18 =	sld [smem:$0x3FD0];
	(tm) =	ssettm $0x1  }
0x92: {  	s4 =	sld [smem:$0x3FFB];
	_ =	sdelay $0x3  }
0x93: {  	_ =	strace s4  }
0x94: {  	s4 =	sld [smem:$0x3FFC];
	_ =	sdelay $0x3  }
0x95: {  	_ =	strace s4  }
0x96: {  	s4 =	sld [smem:$0x3FFD];
	_ =	sdelay $0x3  }
0x97: {  	_ =	strace s4  }
0x98: {  	_ =	strace $0x8FFFFFFF  }
0x99: {  	s19 =	sld [smem:$0x3FDB];
	_ =	sdelay $0x1  }
0x9a: {  	s5 =	simm.s32 $_scs_section_size  }
0x9b: {  	s6 =	simm.s32 $_size__tile_overlayer_lowered;
	s7 =	simm.s32 $_tile_overlayer_lowered  }
0x9c: {  	s22 =	simm.s32 $0x1BFF;
	s21 =	sshll.u32 s7, $0x1;
	s4 =	sadd.s32 s5, s19  }
0x9d: {  	s8 =	simm.s32 $0x0;
	s20 =	sshll.u32 s6, $0x1;
	s6 =	sadd.s32 s21, s4  }
0x9e: {  	[timem:s8], [sflag:s22] =	dma.local [hbm:s6], s20  }
0x9f: {  	_ =	swait.ge [sflag:s22], s20  }
0xa0: {  	s5 =	ssub.s32 $0x0, s20;
	[sflag:s22] =	ssyncset.done $0x0  }
0xa1: {  	[sflag:s22] =	ssyncadd.s32 s5;
	_ =	sdelay $0x1  }
0xa2: {  	s23 =	simm.s32 $0x1B8B  }
0xa3: {  	_ =	swait.ge [sflag:s23], $0x1  }
0xa4: {  	[sflag:s23] =	ssyncset.done $0x0  }
0xa5: {  	s25 =	simm.s32 $0x1B8E;
	s24 =	sld [smem:$0x3FFE];
	[sflag:s23] =	ssyncadd.s32 $0xFFFFFFFF  }
0xa6: {  	s26 =	simm.s32 $execute0_lowered;
	[smem:$0x3FD2] =	sst s25  }
0xa7: {  	s6 =	sshll.u32 s26, $0x1;
	_ =	strace $0x80000046;
	[dreg:$0x1] =	wrdreg $0xFFFFFFFF  }
0xa8: {  	s28 =	simm.s32 $_size_execute0_lowered;
	s4 =	sadd.s32 s4, s6;
	[dreg:$0x0] =	wrdreg $0x0  }
0xa9: {  	s6 =	sshll.u32 s28, $0x1;
	[dreg:$0x2] =	wrdreg s4  }
0xaa: {  	[dreg:$0x3] =	wrdreg s6  }
0xab: {  	[dreg:$0x4] =	wrdreg $0xC0  }
0xac: {  	_ =	task [dreg:s8], $0x5FFFF  }
0xad: {  	[dreg:$0x1] =	wrdreg $0xFFFFFFFF  }
0xae: {  	[dreg:$0x0] =	wrdreg $0x60  }
0xaf: {  	[dreg:$0x2] =	wrdreg s2  }
0xb0: {  	[dreg:$0x3] =	wrdreg s24  }
0xb1: {  	[dreg:$0x4] =	wrdreg s18  }
0xb2: {  	[dreg:$0x5] =	wrdreg $0xA4100  }
0xb3: {  	[dreg:$0x6] =	wrdreg $0x1DC900  }
0xb4: {  	[dreg:$0x7] =	wrdreg $0x9  }
0xb5: {  	_ =	task.clear_ibuf [dreg:s8], $0x8FFFF;
	_ =	strace $0x90000046  }
0xb6: {  	s29 =	simm.s32 $0x9;
	_ =	strace $0x80000048  }
0xb7: {  	_ =	swait.ge [sflag:s29], $0x1  }
0xb8: {  	[sflag:s29] =	ssyncadd.s32 $0xFFFFFFFF  }
0xb9: {  	_ =	strace $0x90000048  }
0xba: {  	_ =	sfence  }
0xbb: {  	s30 =	sld [smem:$0x0];
	_ =	sdelay $0x2  }
0xbc: {  	s31 =	sshll.u32 s1, $0xD;
	s1 =	sshrl.u32 s1, $0x2  }
0xbd: {  	s3 =	sand.u32 $0x4000, s31;
	s1 =	sadd.s32 s1, s30  }
0xbe: {  	s0 =	sor.u32 s3, s0;
	s1 =	sshll.u32 s1, $0x11  }
0xbf: {  	s0 =	sor.u32 s1, s0  }
0xc0: {  	s0 =	sadd.s32 $0x8F2B, s0  }
0xc1: {  	[sflag:s0] =	ssyncadd.remote.s32 $0x1  }
0xc2: {  	_ =	sfence.sel $0xFFFF  }
0xc3: {  	[dreg:$0x0] =	wrdreg $0xFFFFFFFF;
	(pc) =	sbr.abs _section_cstart, $3  }
0xc4: {  	[dreg:$0x1] =	wrdreg $0xFFFFFFFF  }
0xc5: {  	_ =	task.clear_ibuf [dreg:s8], $0x2FFFF;
	_ =	strace $0x9FFFFFFF  }
0xc6: {  	(tm) =	ssettm $0x7FFFFFFF  }
0xc7: {  	_ =	shalt  }
tec
execute0_lowered:
.L_overlay_start_1:
0x0: {  	(tag) =	ssettag $0x1  }
0x1: {  	s1 =	rddreg [dreg:$0x0]  }
0x2: {  	s0 =	rddreg [dreg:$0x1]  }
0x3: {  	s2 =	srdreg.scid;
	s5 =	rddreg [dreg:$0x2]  }
0x4: {  	s14 =	stileid.u32;
	s3 =	rddreg [dreg:$0x3]  }
0x5: {  	s8 =	simm.s32 $0x0;
	s13 =	simm.s32 $0x7;
	s18 =	simm.s32 $0x32  }
0x6: {  	s28 =	simm.s32 $0xA280;
	s29 =	simm.s32 $0x2;
	s30 =	simm.s32 $0x3  }
0x7: {  	s31 =	simm.s32 $0x4;
	s2 =	sand.u32 $0x1, s2;
	s19 =	smul.u32 $0x1F40, s14  }
0x8: {  	s4 =	sshll.u32 s14, $0x1;
	[smem:$0x7FF] =	sst s8;
	s21 =	smul.u32 $0x7D000, s14  }
0x9: {  	s9 =	sadd.s32 $0x16E00, s0;
	s20 =	sadd.s32 $0x16A00, s0;
	s11 =	smul.u32 $0x1F400, s14  }
0xa: {  	s24 =	smul.u32 $0x7D00, s14;
	p0 =	sgt.u32 s14, $0x9;
	s6 =	sor.u32 s2, s4  }
0xb: {  	s4 =	rddreg [dreg:$0x4];
	s7 =	smul.u32 $0x13880, s2;
	_ =	strace $0x80000047  }
0xc: {  	[dreg:$0x6] =	wrdreg s9;
	s10 =	ssub.s32 $0x2, s2;
	s2 =	smul.u32 $0x138800, s2  }
0xd: {  	[dreg:$0x7] =	wrdreg s20;
	s20 =	simm.s32 $0x56A0;
	s6 =	smul.u32 $0x578, s6  }
0xe: {  	s22 =	sshrl.u32 s10, $0x1;
	s25 =	sshrl.u32 s21, $0x2;
	s26 =	sshrl.u32 s24, $0x2  }
0xf: {  	s21 =	simm.s32 $0x7080;
	s7 =	sadd.s32 s19, s7;
	s2 =	sadd.s32 s11, s2  }
0x10: {  	s9 =	sadd.s32 s26, s4;
	s26 =	simm.s32 $0x1;
	s6 =	sadd.s32 s6, s0  }
0x11: {  	s7 =	sshrl.u32 s7, $0x3;
	s2 =	sshrl.u32 s2, $0x3;
	s17 =	sshrl.u32 @!p0 s9, $0x3  }
0x12: {  	s0 =	sadd.s32 s7, s0;
	s7 =	ssub.s32 s10, s22;
	s23 =	sadd.s32 $0xBA00, s6  }
0x13: {  	s6 =	sadd.s32 $0xA00, s6;
	s2 =	sadd.s32 s5, s2;
	[dreg:$0x8] =	wrdreg s23  }
0x14: {  	s5 =	sshll.u32 @!p0 s14, $0x6;
	s14 =	simm.s32 $0x5668;
	[dreg:$0x9] =	wrdreg s6  }
0x15: {  	s22 =	simm.s32 $0x56D8;
	s6 =	sadd.s32 s25, s3;
	[dreg:$0xa] =	wrdreg s2  }
0x16: {  	s2 =	sadd.s32 s11, s3;
	s11 =	sadd.s32 $0x1AE00, s0;
	s0 =	sadd.s32 s19, s4  }
0x17: {  	s12 =	smax.u32 s7, $0x1;
	s15 =	sor.u32 @!p0 $0x1C07, s5;
	s19 =	simm.s32 $0x5780  }
0x18: {  	s23 =	simm.s32 $0x8980;
	s5 =	simm.s32 $0x5710;
	s7 =	simm.s32 $0x0  }
0x19: {  	s16 =	sshrl.u32 @!p0 s6, $0x3;
	s24 =	sshrl.u32 @!p0 s2, $0x3;
	s25 =	sshrl.u32 @!p0 s0, $0x3  }
0x1a: {  	v0 =	vimm.f32 $1.000000000e+00;
	s2 =	simm.s32 $0x5;
	s0 =	simm.s32 $0x6;
	s6 =	simm.s32 $0x5748  }
.LBB2_1:
0x1b: {  	s8 =	simm.s32 $0x0;
	s9 =	rddreg [dreg:$0x8]  }
0x1c: {  	[tilespmem:s8], [sflag:$0x7] =	stream.linear.gather [hbm4b:s9+s8], $0x2BC0, $0x38;
	[tilespmem:$0x1F018] =	vst v63  }
0x1d: {  	_ =	swait.ge [sflag:s13], $0x2BC0  }
0x1e: {  	[sflag:s13] =	ssyncset.done $0x0  }
0x1f: {  	s10 =	simm.s32 $0x2BC0;
	s9 =	rddreg [dreg:$0x9];
	[sflag:s13] =	ssyncadd.s32 $0xFFFFD440  }
0x20: {  	[tilespmem:s10], [sflag:$0x7] =	stream.linear.gather [hbm4b:s9+s8], $0x2BC0, $0x38;
	[tilespmem:$0x1F018] =	vst v63  }
0x21: {  	_ =	swait.ge [sflag:s13], $0x2BC0  }
0x22: {  	[sflag:s13] =	ssyncset.done $0x0  }
0x23: {  	s8 =	simm.s32 $0x20;
	s9 =	simm.s32 $0x0;
	[sflag:s13] =	ssyncadd.s32 $0xFFFFD440  }
.LBB2_2:
0x24: {  	p1 =	sne.s32 s8, $0x620;
	[tilespmem:s9+$0xA280] =	vst.msk $0xff, v0;
	s9 =	smov.u32 s8;
	s8 =	sadd.s32 $0x20, s8  }
.Ltmp0:
0x25: {  	(pc) =	sbr.rel @p1 .LBB2_2-.Ltmp0, $2  }
0x26: {  	_ =	sdelay $0x2  }
0x27: {  	s9 =	sshra.s32 s9, $0x2  }
0x28: {  	[tilespmem:s9+$0xA280] =	vst.msk $0xff, v0;
	s8 =	rddreg [dreg:$0x6]  }
0x29: {  	[spmem:s16], [sflag:s15] =	dma.local @!p0 [hbm:s8], $0x3E80  }
0x2a: {  	s8 =	simm.s32 @!p0 $0x7  }
0x2b: {  	_ =	swait.ge @!p0 [sflag:s8], $0x3E80  }
0x2c: {  	[sflag:s8] =	ssyncset.done @!p0 $0x0  }
0x2d: {  	s9 =	rddreg [dreg:$0x7];
	[sflag:s8] =	ssyncadd.s32 @!p0 $0xFFFFC180  }
0x2e: {  	[spmem:s17], [sflag:s15] =	dma.local @!p0 [hbm:s9], $0x3E8  }
0x2f: {  	_ =	swait.ge @!p0 [sflag:s8], $0x3E8  }
0x30: {  	[sflag:s8] =	ssyncset.done @!p0 $0x0  }
0x31: {  	[sflag:s8] =	ssyncadd.s32 @!p0 $0xFFFFFC18  }
0x32: {  	s9 =	simm.s32 $0x0;
	[bflag:$0x0] =	sbarrier.arrive $0xFFFF  }
0x33: {  	[tilespmem:s19], [sflag:$0x1] =	stream.indirect.gather [hbm4b:s1+s18], $0x80, s9, s18, $0xb8;
	[tilespmem:$0x1F018] =	vst v63  }
0x34: {  	s10 =	simm.s32 $0x38  }
0x35: {  	[tilespmem:s21], [sflag:$0x2] =	stream.indirect.gather [hbm4b:s1+s18], $0x80, s10, s18, $0xb8;
	[tilespmem:$0x1F018] =	vst v63  }
0x36: {  	s9 =	simm.s32 $0x70  }
0x37: {  	[tilespmem:s23], [sflag:$0x3] =	stream.indirect.gather [hbm4b:s1+s18], $0x80, s9, s18, $0xb8;
	[tilespmem:$0x1F018] =	vst v63  }
0x38: {  	_ =	swait.ge [sflag:s26], $0x1900  }
0x39: {  	[sflag:s26] =	ssyncset.done $0x0  }
0x3a: {  	s10 =	simm.s32 $0x2BC0;
	[sflag:s26] =	ssyncadd.s32 $0xFFFFE700  }
0x3b: {  	[spmem:s3] =	stream.indirect.scatter.add.f32 [tilespmem:s19], [sflag:$0x4], $0x80, s10, s18, $0xb8;
	[tilespmem:$0x1F018] =	vst v63  }
0x3c: {  	_ = 	snop  }
0x3d: {  	[spmem:s4] =	stream.indirect.scatter.add.f32 [tilespmem:s28], [sflag:$0x4], $0x8, s10, s18, $0xb8;
	[tilespmem:$0x1F018] =	vst v63  }
0x3e: {  	_ =	swait.ge [sflag:s29], $0x1900  }
0x3f: {  	[sflag:s29] =	ssyncset.done $0x0  }
0x40: {  	s9 =	simm.s32 $0x2BF8;
	[sflag:s29] =	ssyncadd.s32 $0xFFFFE700  }
0x41: {  	[spmem:s3] =	stream.indirect.scatter.add.f32 [tilespmem:s21], [sflag:$0x5], $0x80, s9, s18, $0xb8;
	[tilespmem:$0x1F018] =	vst v63  }
0x42: {  	_ = 	snop  }
0x43: {  	[spmem:s4] =	stream.indirect.scatter.add.f32 [tilespmem:s28], [sflag:$0x5], $0x8, s9, s18, $0xb8;
	[tilespmem:$0x1F018] =	vst v63  }
0x44: {  	_ =	swait.ge [sflag:s30], $0x1900  }
0x45: {  	[sflag:s30] =	ssyncset.done $0x0  }
0x46: {  	s10 =	simm.s32 $0x2C30;
	[sflag:s30] =	ssyncadd.s32 $0xFFFFE700  }
0x47: {  	[spmem:s3] =	stream.indirect.scatter.add.f32 [tilespmem:s23], [sflag:$0x6], $0x80, s10, s18, $0xb8;
	[tilespmem:$0x1F018] =	vst v63  }
0x48: {  	_ = 	snop  }
0x49: {  	[spmem:s4] =	stream.indirect.scatter.add.f32 [tilespmem:s28], [sflag:$0x6], $0x8, s10, s18, $0xb8;
	[tilespmem:$0x1F018] =	vst v63  }
0x4a: {  	_ =	swait.ge [sflag:s31], $0x1900  }
0x4b: {  	[sflag:s31] =	ssyncset.done $0x0  }
0x4c: {  	[sflag:s31] =	ssyncadd.s32 $0xFFFFE700  }
0x4d: {  	_ =	swait.ge [sflag:s31], $0x190  }
0x4e: {  	[sflag:s31] =	ssyncset.done $0x0  }
0x4f: {  	s9 =	simm.s32 $0xA8;
	[sflag:s31] =	ssyncadd.s32 $0xFFFFFE70  }
0x50: {  	[tilespmem:s19], [sflag:$0x1] =	stream.indirect.gather [hbm4b:s1+s18], $0x80, s9, s18, $0xb8;
	[tilespmem:$0x1F018] =	vst v63  }
0x51: {  	_ =	swait.ge [sflag:s2], $0x1900  }
0x52: {  	[sflag:s2] =	ssyncset.done $0x0  }
0x53: {  	[sflag:s2] =	ssyncadd.s32 $0xFFFFE700  }
0x54: {  	_ =	swait.ge [sflag:s2], $0x190  }
0x55: {  	[sflag:s2] =	ssyncset.done $0x0  }
0x56: {  	s10 =	simm.s32 $0xE0;
	[sflag:s2] =	ssyncadd.s32 $0xFFFFFE70  }
0x57: {  	[tilespmem:s21], [sflag:$0x2] =	stream.indirect.gather [hbm4b:s1+s18], $0x80, s10, s18, $0xb8;
	[tilespmem:$0x1F018] =	vst v63  }
0x58: {  	_ =	swait.ge [sflag:s0], $0x1900  }
0x59: {  	[sflag:s0] =	ssyncset.done $0x0  }
0x5a: {  	[sflag:s0] =	ssyncadd.s32 $0xFFFFE700  }
0x5b: {  	_ =	swait.ge [sflag:s0], $0x190  }
0x5c: {  	[sflag:s0] =	ssyncset.done $0x0  }
0x5d: {  	s8 =	simm.s32 $0x2A0;
	s9 =	simm.s32 $0x118;
	[sflag:s0] =	ssyncadd.s32 $0xFFFFFE70  }
.LBB2_4:
0x5e: {  	[tilespmem:s23], [sflag:$0x3] =	stream.indirect.gather [hbm4b:s1+s18], $0x80, s9, s18, $0xb8;
	[tilespmem:$0x1F018] =	vst v63  }
0x5f: {  	s9 =	smov.u32 s8  }
0x60: {  	p1 =	sne.s32 s8, $0xA800;
	s8 =	sadd.s32 $0x2A0, s8;
	_ =	swait.ge [sflag:s26], $0x1900  }
0x61: {  	s9 =	sshra.s32 s9, $0x2;
	[sflag:s26] =	ssyncset.done $0x0  }
0x62: {  	s10 =	sadd.s32 $0x2BC0, s9;
	[sflag:s26] =	ssyncadd.s32 $0xFFFFE700  }
0x63: {  	[spmem:s3] =	stream.indirect.scatter.add.f32 [tilespmem:s19], [sflag:$0x4], $0x80, s10, s18, $0xb8;
	[tilespmem:$0x1F018] =	vst v63  }
0x64: {  	_ = 	snop  }
0x65: {  	[spmem:s4] =	stream.indirect.scatter.add.f32 [tilespmem:s28], [sflag:$0x4], $0x8, s10, s18, $0xb8;
	[tilespmem:$0x1F018] =	vst v63  }
0x66: {  	_ =	swait.ge [sflag:s29], $0x1900  }
0x67: {  	[sflag:s29] =	ssyncset.done $0x0  }
0x68: {  	s10 =	sadd.s32 $0x2BF8, s9;
	[sflag:s29] =	ssyncadd.s32 $0xFFFFE700  }
0x69: {  	[spmem:s3] =	stream.indirect.scatter.add.f32 [tilespmem:s21], [sflag:$0x5], $0x80, s10, s18, $0xb8;
	[tilespmem:$0x1F018] =	vst v63  }
0x6a: {  	_ = 	snop  }
0x6b: {  	[spmem:s4] =	stream.indirect.scatter.add.f32 [tilespmem:s28], [sflag:$0x5], $0x8, s10, s18, $0xb8;
	[tilespmem:$0x1F018] =	vst v63  }
0x6c: {  	_ =	swait.ge [sflag:s30], $0x1900  }
0x6d: {  	[sflag:s30] =	ssyncset.done $0x0  }
0x6e: {  	s10 =	sadd.s32 $0x2C30, s9;
	[sflag:s30] =	ssyncadd.s32 $0xFFFFE700  }
0x6f: {  	[spmem:s3] =	stream.indirect.scatter.add.f32 [tilespmem:s23], [sflag:$0x6], $0x80, s10, s18, $0xb8;
	[tilespmem:$0x1F018] =	vst v63  }
0x70: {  	_ = 	snop  }
0x71: {  	[spmem:s4] =	stream.indirect.scatter.add.f32 [tilespmem:s28], [sflag:$0x6], $0x8, s10, s18, $0xb8;
	[tilespmem:$0x1F018] =	vst v63  }
0x72: {  	_ =	swait.ge [sflag:s31], $0x1900  }
0x73: {  	[sflag:s31] =	ssyncset.done $0x0  }
0x74: {  	[sflag:s31] =	ssyncadd.s32 $0xFFFFE700  }
0x75: {  	_ =	swait.ge [sflag:s31], $0x190  }
0x76: {  	[sflag:s31] =	ssyncset.done $0x0  }
0x77: {  	s10 =	sadd.s32 $0xA8, s9;
	[sflag:s31] =	ssyncadd.s32 $0xFFFFFE70  }
0x78: {  	[tilespmem:s19], [sflag:$0x1] =	stream.indirect.gather [hbm4b:s1+s18], $0x80, s10, s18, $0xb8;
	[tilespmem:$0x1F018] =	vst v63  }
0x79: {  	_ =	swait.ge [sflag:s2], $0x1900  }
0x7a: {  	[sflag:s2] =	ssyncset.done $0x0  }
0x7b: {  	[sflag:s2] =	ssyncadd.s32 $0xFFFFE700  }
0x7c: {  	_ =	swait.ge [sflag:s2], $0x190  }
0x7d: {  	[sflag:s2] =	ssyncset.done $0x0  }
0x7e: {  	s10 =	sadd.s32 $0xE0, s9;
	[sflag:s2] =	ssyncadd.s32 $0xFFFFFE70  }
0x7f: {  	[tilespmem:s21], [sflag:$0x2] =	stream.indirect.gather [hbm4b:s1+s18], $0x80, s10, s18, $0xb8;
	[tilespmem:$0x1F018] =	vst v63  }
0x80: {  	_ =	swait.ge [sflag:s0], $0x1900  }
.Ltmp1:
0x81: {  	[sflag:s0] =	ssyncset.done $0x0;
	(pc) =	sbr.rel @p1 .LBB2_4-.Ltmp1, $4  }
0x82: {  	[sflag:s0] =	ssyncadd.s32 $0xFFFFE700  }
0x83: {  	_ =	swait.ge [sflag:s0], $0x190  }
0x84: {  	[sflag:s0] =	ssyncset.done $0x0  }
0x85: {  	s9 =	sadd.s32 $0x118, s9;
	[sflag:s0] =	ssyncadd.s32 $0xFFFFFE70  }
0x86: {  	[tilespmem:s23], [sflag:$0x3] =	stream.indirect.gather [hbm4b:s1+s18], $0x80, s9, s18, $0xb8;
	[tilespmem:$0x1F018] =	vst v63  }
0x87: {  	_ =	swait.ge [sflag:s26], $0x1900  }
0x88: {  	[sflag:s26] =	ssyncset.done $0x0  }
0x89: {  	[sflag:s26] =	ssyncadd.s32 $0xFFFFE700  }
0x8a: {  	[spmem:s3] =	stream.indirect.scatter.add.f32 [tilespmem:s19], [sflag:$0x4], $0x80, s14, s18, $0xb8;
	[tilespmem:$0x1F018] =	vst v63  }
0x8b: {  	_ = 	snop  }
0x8c: {  	[spmem:s4] =	stream.indirect.scatter.add.f32 [tilespmem:s28], [sflag:$0x4], $0x8, s14, s18, $0xb8;
	[tilespmem:$0x1F018] =	vst v63  }
0x8d: {  	_ =	swait.ge [sflag:s29], $0x1900  }
0x8e: {  	[sflag:s29] =	ssyncset.done $0x0  }
0x8f: {  	[sflag:s29] =	ssyncadd.s32 $0xFFFFE700  }
0x90: {  	[spmem:s3] =	stream.indirect.scatter.add.f32 [tilespmem:s21], [sflag:$0x5], $0x80, s20, s18, $0xb8;
	[tilespmem:$0x1F018] =	vst v63  }
0x91: {  	_ = 	snop  }
0x92: {  	[spmem:s4] =	stream.indirect.scatter.add.f32 [tilespmem:s28], [sflag:$0x5], $0x8, s20, s18, $0xb8;
	[tilespmem:$0x1F018] =	vst v63  }
0x93: {  	_ =	swait.ge [sflag:s30], $0x1900  }
0x94: {  	[sflag:s30] =	ssyncset.done $0x0  }
0x95: {  	[sflag:s30] =	ssyncadd.s32 $0xFFFFE700  }
0x96: {  	[spmem:s3] =	stream.indirect.scatter.add.f32 [tilespmem:s23], [sflag:$0x6], $0x80, s22, s18, $0xb8;
	[tilespmem:$0x1F018] =	vst v63  }
0x97: {  	_ = 	snop  }
0x98: {  	[spmem:s4] =	stream.indirect.scatter.add.f32 [tilespmem:s28], [sflag:$0x6], $0x8, s22, s18, $0xb8;
	[tilespmem:$0x1F018] =	vst v63  }
0x99: {  	_ =	swait.ge [sflag:s31], $0x1900  }
0x9a: {  	[sflag:s31] =	ssyncset.done $0x0  }
0x9b: {  	[sflag:s31] =	ssyncadd.s32 $0xFFFFE700  }
0x9c: {  	_ =	swait.ge [sflag:s31], $0x190  }
0x9d: {  	[sflag:s31] =	ssyncset.done $0x0  }
0x9e: {  	s8 =	simm.s32 $0x2B50;
	[sflag:s31] =	ssyncadd.s32 $0xFFFFFE70  }
0x9f: {  	[tilespmem:s19], [sflag:$0x1] =	stream.indirect.gather [hbm4b:s1+s18], $0x80, s8, s18, $0xb8;
	[tilespmem:$0x1F018] =	vst v63  }
0xa0: {  	_ =	swait.ge [sflag:s2], $0x1900  }
0xa1: {  	[sflag:s2] =	ssyncset.done $0x0  }
0xa2: {  	[sflag:s2] =	ssyncadd.s32 $0xFFFFE700  }
0xa3: {  	_ =	swait.ge [sflag:s2], $0x190  }
0xa4: {  	[sflag:s2] =	ssyncset.done $0x0  }
0xa5: {  	s10 =	simm.s32 $0x2B88;
	[sflag:s2] =	ssyncadd.s32 $0xFFFFFE70  }
0xa6: {  	[tilespmem:s21], [sflag:$0x2] =	stream.indirect.gather [hbm4b:s1+s18], $0x80, s10, s18, $0xb8;
	[tilespmem:$0x1F018] =	vst v63  }
0xa7: {  	_ =	swait.ge [sflag:s0], $0x1900  }
0xa8: {  	[sflag:s0] =	ssyncset.done $0x0  }
0xa9: {  	[sflag:s0] =	ssyncadd.s32 $0xFFFFE700  }
0xaa: {  	_ =	swait.ge [sflag:s0], $0x190  }
0xab: {  	[sflag:s0] =	ssyncset.done $0x0  }
0xac: {  	[sflag:s0] =	ssyncadd.s32 $0xFFFFFE70  }
0xad: {  	_ =	swait.ge [sflag:s26], $0x1900  }
0xae: {  	[sflag:s26] =	ssyncset.done $0x0  }
0xaf: {  	[sflag:s26] =	ssyncadd.s32 $0xFFFFE700  }
0xb0: {  	[spmem:s3] =	stream.indirect.scatter.add.f32 [tilespmem:s19], [sflag:$0x4], $0x80, s5, s18, $0xb8;
	[tilespmem:$0x1F018] =	vst v63  }
0xb1: {  	_ = 	snop  }
0xb2: {  	[spmem:s4] =	stream.indirect.scatter.add.f32 [tilespmem:s28], [sflag:$0x4], $0x8, s5, s18, $0xb8;
	[tilespmem:$0x1F018] =	vst v63  }
0xb3: {  	_ =	swait.ge [sflag:s29], $0x1900  }
0xb4: {  	[sflag:s29] =	ssyncset.done $0x0  }
0xb5: {  	[sflag:s29] =	ssyncadd.s32 $0xFFFFE700  }
0xb6: {  	[spmem:s3] =	stream.indirect.scatter.add.f32 [tilespmem:s21], [sflag:$0x5], $0x80, s6, s18, $0xb8;
	[tilespmem:$0x1F018] =	vst v63  }
0xb7: {  	_ = 	snop  }
0xb8: {  	[spmem:s4] =	stream.indirect.scatter.add.f32 [tilespmem:s28], [sflag:$0x5], $0x8, s6, s18, $0xb8;
	[tilespmem:$0x1F018] =	vst v63  }
0xb9: {  	_ =	swait.ge [sflag:s31], $0x1900  }
0xba: {  	[sflag:s31] =	ssyncset.done $0x0  }
0xbb: {  	[sflag:s31] =	ssyncadd.s32 $0xFFFFE700  }
0xbc: {  	_ =	swait.ge [sflag:s31], $0x190  }
0xbd: {  	[sflag:s31] =	ssyncset.done $0x0  }
0xbe: {  	[sflag:s31] =	ssyncadd.s32 $0xFFFFFE70  }
0xbf: {  	_ =	swait.ge [sflag:s2], $0x1900  }
0xc0: {  	[sflag:s2] =	ssyncset.done $0x0  }
0xc1: {  	[sflag:s2] =	ssyncadd.s32 $0xFFFFE700  }
0xc2: {  	_ =	swait.ge [sflag:s2], $0x190  }
0xc3: {  	[sflag:s2] =	ssyncset.done $0x0  }
0xc4: {  	[sflag:s2] =	ssyncadd.s32 $0xFFFFFE70  }
0xc5: {  	[bflag:$0x0] =	sbarrier.arrive $0xFFFF  }
0xc6: {  	s8 =	rddreg [dreg:$0xa]  }
0xc7: {  	[hbm:s8], [sflag:s15] =	dma.local @!p0 [spmem:s24], $0x3E80  }
0xc8: {  	s8 =	simm.s32 @!p0 $0x7  }
0xc9: {  	s7 =	sadd.s32 $0x1, s7;
	_ =	swait.ge @!p0 [sflag:s8], $0x3E80  }
0xca: {  	p1 =	sne.s32 s7, s12;
	[sflag:s8] =	ssyncset.done @!p0 $0x0  }
.Ltmp2:
0xcb: {  	[sflag:s8] =	ssyncadd.s32 @!p0 $0xFFFFC180;
	(pc) =	sbr.rel @p1 .LBB2_1-.Ltmp2, $4  }
0xcc: {  	[hbm:s11], [sflag:s15] =	dma.local @!p0 [spmem:s25], $0x3E8  }
0xcd: {  	_ =	swait.ge @!p0 [sflag:s8], $0x3E8  }
0xce: {  	[sflag:s8] =	ssyncset.done @!p0 $0x0  }
0xcf: {  	[sflag:s8] =	ssyncadd.s32 @!p0 $0xFFFFFC18  }
0xd0: {  	_ =	sfence.sel $0x180000  }
0xd1: {  	[bflag:$0x0] =	sbarrier.arrive $0xFFFF  }
0xd2: {  	_ =	strace $0x90000047  }
0xd3: {  	s0 =	stileid.u32;
	[bflag:$0x2] =	sbarrier.arrive $0xFFFF  }
0xd4: {  	p0 =	sne.s32 s0, $0x0;
	s0 =	rddreg [dreg:$0x5]  }
0xd5: {  	s0 =	sadd.s32 @!p0 $0x100000, s0  }
0xd6: {  	[sflag:s0] =	ssyncadd.tile.s32 @!p0 $0x1;
	_ =	shalt  }
.Lfunc_end2:
_tile_overlayer_lowered:
.L_overlay_start_2:
0xd7: {  	(tag) =	ssettag $0x2  }
0xd8: {  	s0 =	rddreg [dreg:$0x0];
	s2 =	stileid.u32  }
0xd9: {  	s1 =	rddreg [dreg:$0x1];
	p0 =	sne.s32 s2, $0x0  }
0xda: {  	s3 =	rddreg [dreg:$0x2];
	[bflag:$0x3] =	sbarrier.arrive $0xFFFF;
	s2 =	simm.s32 @!p0 $0x1C07  }
0xdb: {  	[timem:s3], [sflag:s2] =	dma.local @!p0 [hbm:s0], s1  }
0xdc: {  	s0 =	simm.s32 @!p0 $0x7  }
0xdd: {  	_ =	swait.ge @!p0 [sflag:s0], s1  }
0xde: {  	s1 =	ssub.s32 @!p0 $0x0, s1;
	[sflag:s0] =	ssyncset.done @!p0 $0x0  }
0xdf: {  	[sflag:s0] =	ssyncadd.s32 @!p0 s1  }
0xe0: {  	[bflag:$0x3] =	sbarrier.arrive $0xFFFF  }
0xe1: {  	_ =	shalt  }

</sc_bundles>
